<compile_context>
chip_gen: v7x
topology: tpu7x:2x2x1
jax: 0.10.2.dev20260603
libtpu: 0.0.44.dev20260713+nightly
codegen_flags: <defaults>
</compile_context>

<pallas_src>
import functools

import jax
import jax.numpy as jnp
from jax import lax
from jax.experimental import pallas as pl
from jax.experimental.pallas import tpu as pltpu
from jax.experimental.pallas import tpu_sc as plsc

VOCAB = 1000000
BATCH = 16384
EMBED_DIM = 32
L = 16

_NC = 2
_NS = 16
NW = _NC * _NS
B_PER_W = BATCH // NW
NBUF = 6


def _body(ex_hbm, tgt_hbm, ctx_hbm, out_hbm,
          ex_v, id_t_v, id_c_v, slab_t_v, slab_c_v, part_v, out_v,
          sems_t, sems_c):
    wid = lax.axis_index("s") * _NC + lax.axis_index("c")
    base = wid * B_PER_W

    pltpu.sync_copy(ex_hbm.at[pl.ds(base * 3, B_PER_W * 3)], ex_v)

    lanes = lax.iota(jnp.int32, L)

    def extract(k, _):
        flat = (lanes + k * L) * 3
        id_t_v[pl.ds(k * L, L)] = plsc.load_gather(ex_v, [flat])
        id_c_v[pl.ds(k * L, L)] = plsc.load_gather(ex_v, [flat + 1])
        return _

    lax.fori_loop(0, B_PER_W // L, extract, None)

    def fetch(e, buf):
        idt = id_t_v[pl.ds(e, L)][0]
        idc = id_c_v[pl.ds(e, L)][0]
        bt = pl.multiple_of((idt >> 7) * 128, 128)
        bc = pl.multiple_of((idc >> 7) * 128, 128)
        pltpu.async_copy(
            tgt_hbm.at[pl.ds(0, L), pl.ds(bt, 128)],
            slab_t_v.at[buf, pl.ds(0, L)], sems_t.at[buf])
        pltpu.async_copy(
            tgt_hbm.at[pl.ds(L, L), pl.ds(bt, 128)],
            slab_t_v.at[buf, pl.ds(L, L)], sems_c.at[buf])
        pltpu.async_copy(
            ctx_hbm.at[pl.ds(0, L), pl.ds(bc, 128)],
            slab_c_v.at[buf, pl.ds(0, L)], sems_t.at[buf])
        pltpu.async_copy(
            ctx_hbm.at[pl.ds(L, L), pl.ds(bc, 128)],
            slab_c_v.at[buf, pl.ds(L, L)], sems_c.at[buf])

    for e in range(NBUF):
        fetch(e, e)

    d_lo = lax.iota(jnp.int32, L)
    d_hi = d_lo + L
    bufv = jnp.zeros((L,), jnp.int32)

    def step(e, _):
        buf = lax.rem(e, NBUF)
        pltpu.make_async_copy(
            tgt_hbm.at[:, pl.ds(0, 128)], slab_t_v.at[buf], sems_t.at[buf]
        ).wait()
        pltpu.make_async_copy(
            ctx_hbm.at[:, pl.ds(0, 128)], slab_c_v.at[buf], sems_c.at[buf]
        ).wait()

        lt = jnp.full((L,), id_t_v[pl.ds(e, L)][0] & 127, jnp.int32)
        lc = jnp.full((L,), id_c_v[pl.ds(e, L)][0] & 127, jnp.int32)
        bv = bufv + buf
        t1 = plsc.load_gather(slab_t_v, [bv, d_lo, lt])
        t2 = plsc.load_gather(slab_t_v, [bv, d_hi, lt])
        c1 = plsc.load_gather(slab_c_v, [bv, d_lo, lc])
        c2 = plsc.load_gather(slab_c_v, [bv, d_hi, lc])
        part_v[e, :] = t1 * c1 + t2 * c2

        nxt = jnp.minimum(e + NBUF, B_PER_W - 1)
        fetch(nxt, buf)
        return _

    lax.fori_loop(0, B_PER_W, step, None)

    for b in range(NBUF):
        pltpu.make_async_copy(
            tgt_hbm.at[:, pl.ds(0, 128)], slab_t_v.at[b], sems_t.at[b]
        ).wait()
        pltpu.make_async_copy(
            ctx_hbm.at[:, pl.ds(0, 128)], slab_c_v.at[b], sems_c.at[b]
        ).wait()

    def reduce(k, _):
        rows = lanes + k * L
        acc = plsc.load_gather(part_v, [rows, jnp.zeros((L,), jnp.int32)])
        for j in range(1, L):
            acc = acc + plsc.load_gather(
                part_v, [rows, jnp.full((L,), j, jnp.int32)])
        out_v[pl.ds(k * L, L)] = 1.0 / (1.0 + jnp.exp(-acc))
        return _

    lax.fori_loop(0, B_PER_W // L, reduce, None)

    pltpu.sync_copy(out_v, out_hbm.at[pl.ds(base, B_PER_W)])


def kernel(examples, target_embeddings, context_embeddings):
    mesh = plsc.VectorSubcoreMesh(core_axis_name="c", subcore_axis_name="s")
    k = functools.partial(
        pl.kernel,
        mesh=mesh,
        compiler_params=pltpu.CompilerParams(
            needs_layout_passes=False,
        ),
        out_type=jax.ShapeDtypeStruct((BATCH,), jnp.float32),
        scratch_types=[
            pltpu.VMEM((B_PER_W * 3,), jnp.int32),
            pltpu.VMEM((B_PER_W + L,), jnp.int32),
            pltpu.VMEM((B_PER_W + L,), jnp.int32),
            pltpu.VMEM((NBUF, EMBED_DIM, 128), jnp.float32),
            pltpu.VMEM((NBUF, EMBED_DIM, 128), jnp.float32),
            pltpu.VMEM((B_PER_W, L), jnp.float32),
            pltpu.VMEM((B_PER_W,), jnp.float32),
            pltpu.SemaphoreType.DMA((NBUF,)),
            pltpu.SemaphoreType.DMA((NBUF,)),
        ],
    )(_body)
    return k(
        examples.reshape(-1),
        target_embeddings.T,
        context_embeddings.T,
    )

# --- scband reference (transcript-rebuilt; emitter-appended) ---
"""Pipeline reference for scband-word2-vec-9234179687371 (READ-ONLY COPY).

The authoritative reference and input builder live on the scoring server;
editing this copy changes nothing except your own understanding.
"""

import jax, jax.numpy as jnp
import numpy as np

VOCAB = 1000000
EMBED_DIM = 32
BATCH = 16384

def setup_inputs(seed: int = 0) -> dict:
    key = jax.random.key(seed)
    k1, k2, k3 = jax.random.split(key, 3)
    examples = jax.random.randint(k1, (BATCH, 3), 0, VOCAB, dtype=jnp.int64 if jax.config.jax_enable_x64 else jnp.int32)
    r = 0.5 / EMBED_DIM
    target_embeddings = jax.random.uniform(k2, (VOCAB, EMBED_DIM), minval=-r, maxval=r, dtype=jnp.float32)
    context_embeddings = jax.random.uniform(k3, (VOCAB, EMBED_DIM), minval=-r, maxval=r, dtype=jnp.float32)
    return {"examples": examples, "target_embeddings": target_embeddings, "context_embeddings": context_embeddings}

def reference(examples, target_embeddings, context_embeddings):
    # Word2Vec SkipGram forward (train=True path):
    # gather target and context embeddings, dot product, sigmoid.
    target_ids = examples[:, 0]
    context_ids = examples[:, 1]
    context_embeds = jnp.take(context_embeddings, context_ids, axis=0)
    target_embeds = jnp.take(target_embeddings, target_ids, axis=0)
    scores = jnp.multiply(target_embeds, context_embeds)
    scores = jnp.sum(scores, axis=1)
    scores = jax.nn.sigmoid(scores)
    return scores

if __name__ == "__main__":
    import jax
    _d = setup_inputs()
    print(jax.jit(kernel)(*tuple(_d.values())))

</pallas_src>

<mosaic_0001>
#map = affine_map<(d0, d1) -> (0)>
#map1 = affine_map<(d0, d1) -> (0, 0)>
module attributes {stable_mosaic.version = 14 : i64} {
  func.func @_body(%arg0: i32, %arg1: i32, %arg2: memref<49152xi32, #tpu.memory_space<hbm>>, %arg3: memref<32x1000000xf32, #tpu.memory_space<hbm>>, %arg4: memref<32x1000000xf32, #tpu.memory_space<hbm>>, %arg5: memref<16384xf32, #tpu.memory_space<hbm>>, %arg6: memref<1536xi32, #tpu.memory_space<vmem>>, %arg7: memref<528xi32, #tpu.memory_space<vmem>>, %arg8: memref<528xi32, #tpu.memory_space<vmem>>, %arg9: memref<6x32x128xf32, #tpu.memory_space<vmem>>, %arg10: memref<6x32x128xf32, #tpu.memory_space<vmem>>, %arg11: memref<512x16xf32, #tpu.memory_space<vmem>>, %arg12: memref<512xf32, #tpu.memory_space<vmem>>, %arg13: memref<6x!tpu.dma_semaphore, #tpu.memory_space<semaphore_mem>>, %arg14: memref<6x!tpu.dma_semaphore, #tpu.memory_space<semaphore_mem>>) attributes {dimension_semantics = [#tpu.dimension_semantics<core_parallel>, #tpu.dimension_semantics<subcore_parallel>], iteration_bounds = array<i64: 2, 16>, scalar_prefetch = 0 : i64, scratch_operands = 9 : i64, tpu.core_type = #tpu.core_type<sc_vector_subcore>, window_params = [{transform_indices = #map}, {transform_indices = #map1}, {transform_indices = #map1}, {transform_indices = #map}]} {
    %mul3A = arith.constant 2 : i32
    %mul3A_0 = arith.muli %arg1, %mul3A : i32
    %add3A = arith.addi %mul3A_0, %arg0 : i32
    %mul3A_1 = arith.constant 512 : i32
    %mul3A_2 = arith.muli %add3A, %mul3A_1 : i32
    %mul3A_3 = arith.constant 3 : i32
    %mul3A_4 = arith.muli %mul3A_2, %mul3A_3 : i32
    "tpu.region"() ({
      %run_scoped3A = tpu.sem_alloc : memref<!tpu.dma_semaphore, #tpu.memory_space<semaphore_mem>>
      %dma_start3A_725 = tpu.memref_slice %arg2[%mul3A_4] : memref<49152xi32, #tpu.memory_space<hbm>> -> memref<1536xi32, #tpu.memory_space<hbm>>
      %dma_start3A_726 = tpu.memref_slice %arg2[%mul3A_4] : memref<49152xi32, #tpu.memory_space<hbm>> -> memref<1536xi32, #tpu.memory_space<hbm>>
      tpu.enqueue_dma source(%dma_start3A_726 : memref<1536xi32, #tpu.memory_space<hbm>>) target(%arg6 : memref<1536xi32, #tpu.memory_space<vmem>>) target_semaphore(%run_scoped3A : memref<!tpu.dma_semaphore, #tpu.memory_space<semaphore_mem>>)
      %dma_wait3A_727 = tpu.memref_slice %arg2[%mul3A_4] : memref<49152xi32, #tpu.memory_space<hbm>> -> memref<1536xi32, #tpu.memory_space<hbm>>
      %dma_wait3A_728 = tpu.memref_slice %arg2[%mul3A_4] : memref<49152xi32, #tpu.memory_space<hbm>> -> memref<1536xi32, #tpu.memory_space<hbm>>
      tpu.wait_dma2 semaphore(%run_scoped3A : memref<!tpu.dma_semaphore, #tpu.memory_space<semaphore_mem>>) src(%dma_wait3A_728 : memref<1536xi32, #tpu.memory_space<hbm>>) dst(%arg6 : memref<1536xi32, #tpu.memory_space<vmem>>)
      tpu.yield
    }) : () -> ()
    %iota3A = tpu.iota {dimensions = array<i32: 0>} : vector<16xi32>
    %scan3A = arith.constant 0 : i32
    %scan3A_5 = arith.constant 32 : i32
    %scan3A_6 = arith.addi %scan3A, %scan3A_5 : i32
    %scan3A_7 = arith.constant 1 : i32
    scf.for %scan3A_725 = %scan3A to %scan3A_6 step %scan3A_7  : i32 {
      %mul3A_726 = arith.constant 16 : i32
      %mul3A_727 = arith.muli %scan3A_725, %mul3A_726 : i32
      %add3A_728 = vector.broadcast %mul3A_727 : i32 to vector<16xi32>
      %add3A_729 = arith.addi %iota3A, %add3A_728 : vector<16xi32>
      %mul3A_730 = arith.constant 3 : i32
      %mul3A_731 = vector.broadcast %mul3A_730 : i32 to vector<16xi32>
      %mul3A_732 = arith.muli %add3A_729, %mul3A_731 : vector<16xi32>
      %gather3A = tpu.vector_load_idx %arg6[%mul3A_732] : memref<1536xi32, #tpu.memory_space<vmem>>[vector<16xi32>], vector<16xi32>,
      %mul3A_733 = arith.constant 16 : i32
      %mul3A_734 = arith.muli %scan3A_725, %mul3A_733 : i32
      %swap3A = arith.index_cast %mul3A_734 : i32 to index
      %swap3A_735 = tpu.vector_load %arg7[%swap3A] {strides = array<i32>} : memref<528xi32, #tpu.memory_space<vmem>>, vector<16xi32>,
      tpu.vector_store %arg7[%swap3A], %gather3A {strides = array<i32>} : memref<528xi32, #tpu.memory_space<vmem>>, vector<16xi32>,
      %add3A_736 = arith.constant 1 : i32
      %add3A_737 = vector.broadcast %add3A_736 : i32 to vector<16xi32>
      %add3A_738 = arith.addi %mul3A_732, %add3A_737 : vector<16xi32>
      %gather3A_739 = tpu.vector_load_idx %arg6[%add3A_738] : memref<1536xi32, #tpu.memory_space<vmem>>[vector<16xi32>], vector<16xi32>,
      %mul3A_740 = arith.constant 16 : i32
      %mul3A_741 = arith.muli %scan3A_725, %mul3A_740 : i32
      %swap3A_742 = arith.index_cast %mul3A_741 : i32 to index
      %swap3A_743 = tpu.vector_load %arg8[%swap3A_742] {strides = array<i32>} : memref<528xi32, #tpu.memory_space<vmem>>, vector<16xi32>,
      tpu.vector_store %arg8[%swap3A_742], %gather3A_739 {strides = array<i32>} : memref<528xi32, #tpu.memory_space<vmem>>, vector<16xi32>,
    }
    %scan3A_8 = arith.constant 32 : i32
    %get3A = arith.constant 0 : index
    %get3A_9 = tpu.vector_load %arg7[%get3A] {strides = array<i32>} : memref<528xi32, #tpu.memory_space<vmem>>, vector<16xi32>,
    %slice3A = vector.extract_strided_slice %get3A_9 {offsets = [0], sizes = [1], strides = [1]} : vector<16xi32> to vector<1xi32>
    %squeeze3A = vector.extract %slice3A[0] : i32 from vector<1xi32>
    %get3A_10 = arith.constant 0 : index
    %get3A_11 = tpu.vector_load %arg8[%get3A_10] {strides = array<i32>} : memref<528xi32, #tpu.memory_space<vmem>>, vector<16xi32>,
    %slice3A_12 = vector.extract_strided_slice %get3A_11 {offsets = [0], sizes = [1], strides = [1]} : vector<16xi32> to vector<1xi32>
    %squeeze3A_13 = vector.extract %slice3A_12[0] : i32 from vector<1xi32>
    %shift_right_arithmetic3A = arith.constant 7 : i32
    %shift_right_arithmetic3A_14 = arith.shrsi %squeeze3A, %shift_right_arithmetic3A : i32
    %mul3A_15 = arith.constant 128 : i32
    %mul3A_16 = arith.muli %shift_right_arithmetic3A_14, %mul3A_15 : i32
    %multiple_of3A = tpu.assume_multiple %mul3A_16, 128 : i32
    %shift_right_arithmetic3A_17 = arith.constant 7 : i32
    %shift_right_arithmetic3A_18 = arith.shrsi %squeeze3A_13, %shift_right_arithmetic3A_17 : i32
    %mul3A_19 = arith.constant 128 : i32
    %mul3A_20 = arith.muli %shift_right_arithmetic3A_18, %mul3A_19 : i32
    %multiple_of3A_21 = tpu.assume_multiple %mul3A_20, 128 : i32
    %dma_start3A = arith.constant 0 : i32
    %dma_start3A_22 = arith.constant 0 : i32
    %dma_start3A_23 = arith.constant 0 : i32
    %dma_start3A_24 = arith.constant 0 : i32
    %dma_start3A_25 = tpu.memref_slice %arg9[%dma_start3A, %dma_start3A_23, %dma_start3A_24] : memref<6x32x128xf32, #tpu.memory_space<vmem>> -> memref<1x16x128xf32, #tpu.memory_space<vmem>>
    %dma_start3A_26 = tpu.memref_squeeze %dma_start3A_25 : memref<1x16x128xf32, #tpu.memory_space<vmem>> -> memref<16x128xf32, #tpu.memory_space<vmem>>
    %dma_start3A_27 = arith.constant 0 : i32
    %dma_start3A_28 = tpu.memref_slice %arg3[%dma_start3A_27, %multiple_of3A] : memref<32x1000000xf32, #tpu.memory_space<hbm>> -> memref<16x128xf32, #tpu.memory_space<hbm>>
    %dma_start3A_29 = tpu.memref_slice %arg13[%dma_start3A_22] : memref<6x!tpu.dma_semaphore, #tpu.memory_space<semaphore_mem>> -> memref<1x!tpu.dma_semaphore, #tpu.memory_space<semaphore_mem>>
    %dma_start3A_30 = tpu.memref_squeeze %dma_start3A_29 : memref<1x!tpu.dma_semaphore, #tpu.memory_space<semaphore_mem>> -> memref<!tpu.dma_semaphore, #tpu.memory_space<semaphore_mem>>
    %dma_start3A_31 = arith.constant 0 : i32
    %dma_start3A_32 = arith.constant 0 : i32
    %dma_start3A_33 = tpu.memref_slice %arg9[%dma_start3A, %dma_start3A_31, %dma_start3A_32] : memref<6x32x128xf32, #tpu.memory_space<vmem>> -> memref<1x16x128xf32, #tpu.memory_space<vmem>>
    %dma_start3A_34 = tpu.memref_squeeze %dma_start3A_33 : memref<1x16x128xf32, #tpu.memory_space<vmem>> -> memref<16x128xf32, #tpu.memory_space<vmem>>
    %dma_start3A_35 = arith.constant 0 : i32
    %dma_start3A_36 = tpu.memref_slice %arg3[%dma_start3A_35, %multiple_of3A] : memref<32x1000000xf32, #tpu.memory_space<hbm>> -> memref<16x128xf32, #tpu.memory_space<hbm>>
    tpu.enqueue_dma source(%dma_start3A_36 : memref<16x128xf32, #tpu.memory_space<hbm>>) target(%dma_start3A_34 : memref<16x128xf32, #tpu.memory_space<vmem>>) target_semaphore(%dma_start3A_30 : memref<!tpu.dma_semaphore, #tpu.memory_space<semaphore_mem>>)
    %dma_start3A_37 = arith.constant 0 : i32
    %dma_start3A_38 = arith.constant 0 : i32
    %dma_start3A_39 = arith.constant 16 : i32
    %dma_start3A_40 = arith.constant 0 : i32
    %dma_start3A_41 = tpu.memref_slice %arg9[%dma_start3A_37, %dma_start3A_39, %dma_start3A_40] : memref<6x32x128xf32, #tpu.memory_space<vmem>> -> memref<1x16x128xf32, #tpu.memory_space<vmem>>
    %dma_start3A_42 = tpu.memref_squeeze %dma_start3A_41 : memref<1x16x128xf32, #tpu.memory_space<vmem>> -> memref<16x128xf32, #tpu.memory_space<vmem>>
    %dma_start3A_43 = arith.constant 16 : i32
    %dma_start3A_44 = tpu.memref_slice %arg3[%dma_start3A_43, %multiple_of3A] : memref<32x1000000xf32, #tpu.memory_space<hbm>> -> memref<16x128xf32, #tpu.memory_space<hbm>>
    %dma_start3A_45 = tpu.memref_slice %arg14[%dma_start3A_38] : memref<6x!tpu.dma_semaphore, #tpu.memory_space<semaphore_mem>> -> memref<1x!tpu.dma_semaphore, #tpu.memory_space<semaphore_mem>>
    %dma_start3A_46 = tpu.memref_squeeze %dma_start3A_45 : memref<1x!tpu.dma_semaphore, #tpu.memory_space<semaphore_mem>> -> memref<!tpu.dma_semaphore, #tpu.memory_space<semaphore_mem>>
    %dma_start3A_47 = arith.constant 16 : i32
    %dma_start3A_48 = arith.constant 0 : i32
    %dma_start3A_49 = tpu.memref_slice %arg9[%dma_start3A_37, %dma_start3A_47, %dma_start3A_48] : memref<6x32x128xf32, #tpu.memory_space<vmem>> -> memref<1x16x128xf32, #tpu.memory_space<vmem>>
    %dma_start3A_50 = tpu.memref_squeeze %dma_start3A_49 : memref<1x16x128xf32, #tpu.memory_space<vmem>> -> memref<16x128xf32, #tpu.memory_space<vmem>>
    %dma_start3A_51 = arith.constant 16 : i32
    %dma_start3A_52 = tpu.memref_slice %arg3[%dma_start3A_51, %multiple_of3A] : memref<32x1000000xf32, #tpu.memory_space<hbm>> -> memref<16x128xf32, #tpu.memory_space<hbm>>
    tpu.enqueue_dma source(%dma_start3A_52 : memref<16x128xf32, #tpu.memory_space<hbm>>) target(%dma_start3A_50 : memref<16x128xf32, #tpu.memory_space<vmem>>) target_semaphore(%dma_start3A_46 : memref<!tpu.dma_semaphore, #tpu.memory_space<semaphore_mem>>)
    %dma_start3A_53 = arith.constant 0 : i32
    %dma_start3A_54 = arith.constant 0 : i32
    %dma_start3A_55 = arith.constant 0 : i32
    %dma_start3A_56 = arith.constant 0 : i32
    %dma_start3A_57 = tpu.memref_slice %arg10[%dma_start3A_53, %dma_start3A_55, %dma_start3A_56] : memref<6x32x128xf32, #tpu.memory_space<vmem>> -> memref<1x16x128xf32, #tpu.memory_space<vmem>>
    %dma_start3A_58 = tpu.memref_squeeze %dma_start3A_57 : memref<1x16x128xf32, #tpu.memory_space<vmem>> -> memref<16x128xf32, #tpu.memory_space<vmem>>
    %dma_start3A_59 = arith.constant 0 : i32
    %dma_start3A_60 = tpu.memref_slice %arg4[%dma_start3A_59, %multiple_of3A_21] : memref<32x1000000xf32, #tpu.memory_space<hbm>> -> memref<16x128xf32, #tpu.memory_space<hbm>>
    %dma_start3A_61 = tpu.memref_slice %arg13[%dma_start3A_54] : memref<6x!tpu.dma_semaphore, #tpu.memory_space<semaphore_mem>> -> memref<1x!tpu.dma_semaphore, #tpu.memory_space<semaphore_mem>>
    %dma_start3A_62 = tpu.memref_squeeze %dma_start3A_61 : memref<1x!tpu.dma_semaphore, #tpu.memory_space<semaphore_mem>> -> memref<!tpu.dma_semaphore, #tpu.memory_space<semaphore_mem>>
    %dma_start3A_63 = arith.constant 0 : i32
    %dma_start3A_64 = arith.constant 0 : i32
    %dma_start3A_65 = tpu.memref_slice %arg10[%dma_start3A_53, %dma_start3A_63, %dma_start3A_64] : memref<6x32x128xf32, #tpu.memory_space<vmem>> -> memref<1x16x128xf32, #tpu.memory_space<vmem>>
    %dma_start3A_66 = tpu.memref_squeeze %dma_start3A_65 : memref<1x16x128xf32, #tpu.memory_space<vmem>> -> memref<16x128xf32, #tpu.memory_space<vmem>>
    %dma_start3A_67 = arith.constant 0 : i32
    %dma_start3A_68 = tpu.memref_slice %arg4[%dma_start3A_67, %multiple_of3A_21] : memref<32x1000000xf32, #tpu.memory_space<hbm>> -> memref<16x128xf32, #tpu.memory_space<hbm>>
    tpu.enqueue_dma source(%dma_start3A_68 : memref<16x128xf32, #tpu.memory_space<hbm>>) target(%dma_start3A_66 : memref<16x128xf32, #tpu.memory_space<vmem>>) target_semaphore(%dma_start3A_62 : memref<!tpu.dma_semaphore, #tpu.memory_space<semaphore_mem>>)
    %dma_start3A_69 = arith.constant 0 : i32
    %dma_start3A_70 = arith.constant 0 : i32
    %dma_start3A_71 = arith.constant 16 : i32
    %dma_start3A_72 = arith.constant 0 : i32
    %dma_start3A_73 = tpu.memref_slice %arg10[%dma_start3A_69, %dma_start3A_71, %dma_start3A_72] : memref<6x32x128xf32, #tpu.memory_space<vmem>> -> memref<1x16x128xf32, #tpu.memory_space<vmem>>
    %dma_start3A_74 = tpu.memref_squeeze %dma_start3A_73 : memref<1x16x128xf32, #tpu.memory_space<vmem>> -> memref<16x128xf32, #tpu.memory_space<vmem>>
    %dma_start3A_75 = arith.constant 16 : i32
    %dma_start3A_76 = tpu.memref_slice %arg4[%dma_start3A_75, %multiple_of3A_21] : memref<32x1000000xf32, #tpu.memory_space<hbm>> -> memref<16x128xf32, #tpu.memory_space<hbm>>
    %dma_start3A_77 = tpu.memref_slice %arg14[%dma_start3A_70] : memref<6x!tpu.dma_semaphore, #tpu.memory_space<semaphore_mem>> -> memref<1x!tpu.dma_semaphore, #tpu.memory_space<semaphore_mem>>
    %dma_start3A_78 = tpu.memref_squeeze %dma_start3A_77 : memref<1x!tpu.dma_semaphore, #tpu.memory_space<semaphore_mem>> -> memref<!tpu.dma_semaphore, #tpu.memory_space<semaphore_mem>>
    %dma_start3A_79 = arith.constant 16 : i32
    %dma_start3A_80 = arith.constant 0 : i32
    %dma_start3A_81 = tpu.memref_slice %arg10[%dma_start3A_69, %dma_start3A_79, %dma_start3A_80] : memref<6x32x128xf32, #tpu.memory_space<vmem>> -> memref<1x16x128xf32, #tpu.memory_space<vmem>>
    %dma_start3A_82 = tpu.memref_squeeze %dma_start3A_81 : memref<1x16x128xf32, #tpu.memory_space<vmem>> -> memref<16x128xf32, #tpu.memory_space<vmem>>
    %dma_start3A_83 = arith.constant 16 : i32
    %dma_start3A_84 = tpu.memref_slice %arg4[%dma_start3A_83, %multiple_of3A_21] : memref<32x1000000xf32, #tpu.memory_space<hbm>> -> memref<16x128xf32, #tpu.memory_space<hbm>>
    tpu.enqueue_dma source(%dma_start3A_84 : memref<16x128xf32, #tpu.memory_space<hbm>>) target(%dma_start3A_82 : memref<16x128xf32, #tpu.memory_space<vmem>>) target_semaphore(%dma_start3A_78 : memref<!tpu.dma_semaphore, #tpu.memory_space<semaphore_mem>>)
    %get3A_85 = arith.constant 1 : index
    %get3A_86 = tpu.vector_load %arg7[%get3A_85] {strides = array<i32>} : memref<528xi32, #tpu.memory_space<vmem>>, vector<16xi32>,
    %slice3A_87 = vector.extract_strided_slice %get3A_86 {offsets = [0], sizes = [1], strides = [1]} : vector<16xi32> to vector<1xi32>
    %squeeze3A_88 = vector.extract %slice3A_87[0] : i32 from vector<1xi32>
    %get3A_89 = arith.constant 1 : index
    %get3A_90 = tpu.vector_load %arg8[%get3A_89] {strides = array<i32>} : memref<528xi32, #tpu.memory_space<vmem>>, vector<16xi32>,
    %slice3A_91 = vector.extract_strided_slice %get3A_90 {offsets = [0], sizes = [1], strides = [1]} : vector<16xi32> to vector<1xi32>
    %squeeze3A_92 = vector.extract %slice3A_91[0] : i32 from vector<1xi32>
    %shift_right_arithmetic3A_93 = arith.constant 7 : i32
    %shift_right_arithmetic3A_94 = arith.shrsi %squeeze3A_88, %shift_right_arithmetic3A_93 : i32
    %mul3A_95 = arith.constant 128 : i32
    %mul3A_96 = arith.muli %shift_right_arithmetic3A_94, %mul3A_95 : i32
    %multiple_of3A_97 = tpu.assume_multiple %mul3A_96, 128 : i32
    %shift_right_arithmetic3A_98 = arith.constant 7 : i32
    %shift_right_arithmetic3A_99 = arith.shrsi %squeeze3A_92, %shift_right_arithmetic3A_98 : i32
    %mul3A_100 = arith.constant 128 : i32
    %mul3A_101 = arith.muli %shift_right_arithmetic3A_99, %mul3A_100 : i32
    %multiple_of3A_102 = tpu.assume_multiple %mul3A_101, 128 : i32
    %dma_start3A_103 = arith.constant 1 : i32
    %dma_start3A_104 = arith.constant 1 : i32
    %dma_start3A_105 = arith.constant 0 : i32
    %dma_start3A_106 = arith.constant 0 : i32
    %dma_start3A_107 = tpu.memref_slice %arg9[%dma_start3A_103, %dma_start3A_105, %dma_start3A_106] : memref<6x32x128xf32, #tpu.memory_space<vmem>> -> memref<1x16x128xf32, #tpu.memory_space<vmem>>
    %dma_start3A_108 = tpu.memref_squeeze %dma_start3A_107 : memref<1x16x128xf32, #tpu.memory_space<vmem>> -> memref<16x128xf32, #tpu.memory_space<vmem>>
    %dma_start3A_109 = arith.constant 0 : i32
    %dma_start3A_110 = tpu.memref_slice %arg3[%dma_start3A_109, %multiple_of3A_97] : memref<32x1000000xf32, #tpu.memory_space<hbm>> -> memref<16x128xf32, #tpu.memory_space<hbm>>
    %dma_start3A_111 = tpu.memref_slice %arg13[%dma_start3A_104] : memref<6x!tpu.dma_semaphore, #tpu.memory_space<semaphore_mem>> -> memref<1x!tpu.dma_semaphore, #tpu.memory_space<semaphore_mem>>
    %dma_start3A_112 = tpu.memref_squeeze %dma_start3A_111 : memref<1x!tpu.dma_semaphore, #tpu.memory_space<semaphore_mem>> -> memref<!tpu.dma_semaphore, #tpu.memory_space<semaphore_mem>>
    %dma_start3A_113 = arith.constant 0 : i32
    %dma_start3A_114 = arith.constant 0 : i32
    %dma_start3A_115 = tpu.memref_slice %arg9[%dma_start3A_103, %dma_start3A_113, %dma_start3A_114] : memref<6x32x128xf32, #tpu.memory_space<vmem>> -> memref<1x16x128xf32, #tpu.memory_space<vmem>>
    %dma_start3A_116 = tpu.memref_squeeze %dma_start3A_115 : memref<1x16x128xf32, #tpu.memory_space<vmem>> -> memref<16x128xf32, #tpu.memory_space<vmem>>
    %dma_start3A_117 = arith.constant 0 : i32
    %dma_start3A_118 = tpu.memref_slice %arg3[%dma_start3A_117, %multiple_of3A_97] : memref<32x1000000xf32, #tpu.memory_space<hbm>> -> memref<16x128xf32, #tpu.memory_space<hbm>>
    tpu.enqueue_dma source(%dma_start3A_118 : memref<16x128xf32, #tpu.memory_space<hbm>>) target(%dma_start3A_116 : memref<16x128xf32, #tpu.memory_space<vmem>>) target_semaphore(%dma_start3A_112 : memref<!tpu.dma_semaphore, #tpu.memory_space<semaphore_mem>>)
    %dma_start3A_119 = arith.constant 1 : i32
    %dma_start3A_120 = arith.constant 1 : i32
    %dma_start3A_121 = arith.constant 16 : i32
    %dma_start3A_122 = arith.constant 0 : i32
    %dma_start3A_123 = tpu.memref_slice %arg9[%dma_start3A_119, %dma_start3A_121, %dma_start3A_122] : memref<6x32x128xf32, #tpu.memory_space<vmem>> -> memref<1x16x128xf32, #tpu.memory_space<vmem>>
    %dma_start3A_124 = tpu.memref_squeeze %dma_start3A_123 : memref<1x16x128xf32, #tpu.memory_space<vmem>> -> memref<16x128xf32, #tpu.memory_space<vmem>>
    %dma_start3A_125 = arith.constant 16 : i32
    %dma_start3A_126 = tpu.memref_slice %arg3[%dma_start3A_125, %multiple_of3A_97] : memref<32x1000000xf32, #tpu.memory_space<hbm>> -> memref<16x128xf32, #tpu.memory_space<hbm>>
    %dma_start3A_127 = tpu.memref_slice %arg14[%dma_start3A_120] : memref<6x!tpu.dma_semaphore, #tpu.memory_space<semaphore_mem>> -> memref<1x!tpu.dma_semaphore, #tpu.memory_space<semaphore_mem>>
    %dma_start3A_128 = tpu.memref_squeeze %dma_start3A_127 : memref<1x!tpu.dma_semaphore, #tpu.memory_space<semaphore_mem>> -> memref<!tpu.dma_semaphore, #tpu.memory_space<semaphore_mem>>
    %dma_start3A_129 = arith.constant 16 : i32
    %dma_start3A_130 = arith.constant 0 : i32
    %dma_start3A_131 = tpu.memref_slice %arg9[%dma_start3A_119, %dma_start3A_129, %dma_start3A_130] : memref<6x32x128xf32, #tpu.memory_space<vmem>> -> memref<1x16x128xf32, #tpu.memory_space<vmem>>
    %dma_start3A_132 = tpu.memref_squeeze %dma_start3A_131 : memref<1x16x128xf32, #tpu.memory_space<vmem>> -> memref<16x128xf32, #tpu.memory_space<vmem>>
    %dma_start3A_133 = arith.constant 16 : i32
    %dma_start3A_134 = tpu.memref_slice %arg3[%dma_start3A_133, %multiple_of3A_97] : memref<32x1000000xf32, #tpu.memory_space<hbm>> -> memref<16x128xf32, #tpu.memory_space<hbm>>
    tpu.enqueue_dma source(%dma_start3A_134 : memref<16x128xf32, #tpu.memory_space<hbm>>) target(%dma_start3A_132 : memref<16x128xf32, #tpu.memory_space<vmem>>) target_semaphore(%dma_start3A_128 : memref<!tpu.dma_semaphore, #tpu.memory_space<semaphore_mem>>)
    %dma_start3A_135 = arith.constant 1 : i32
    %dma_start3A_136 = arith.constant 1 : i32
    %dma_start3A_137 = arith.constant 0 : i32
    %dma_start3A_138 = arith.constant 0 : i32
    %dma_start3A_139 = tpu.memref_slice %arg10[%dma_start3A_135, %dma_start3A_137, %dma_start3A_138] : memref<6x32x128xf32, #tpu.memory_space<vmem>> -> memref<1x16x128xf32, #tpu.memory_space<vmem>>
    %dma_start3A_140 = tpu.memref_squeeze %dma_start3A_139 : memref<1x16x128xf32, #tpu.memory_space<vmem>> -> memref<16x128xf32, #tpu.memory_space<vmem>>
    %dma_start3A_141 = arith.constant 0 : i32
    %dma_start3A_142 = tpu.memref_slice %arg4[%dma_start3A_141, %multiple_of3A_102] : memref<32x1000000xf32, #tpu.memory_space<hbm>> -> memref<16x128xf32, #tpu.memory_space<hbm>>
    %dma_start3A_143 = tpu.memref_slice %arg13[%dma_start3A_136] : memref<6x!tpu.dma_semaphore, #tpu.memory_space<semaphore_mem>> -> memref<1x!tpu.dma_semaphore, #tpu.memory_space<semaphore_mem>>
    %dma_start3A_144 = tpu.memref_squeeze %dma_start3A_143 : memref<1x!tpu.dma_semaphore, #tpu.memory_space<semaphore_mem>> -> memref<!tpu.dma_semaphore, #tpu.memory_space<semaphore_mem>>
    %dma_start3A_145 = arith.constant 0 : i32
    %dma_start3A_146 = arith.constant 0 : i32
    %dma_start3A_147 = tpu.memref_slice %arg10[%dma_start3A_135, %dma_start3A_145, %dma_start3A_146] : memref<6x32x128xf32, #tpu.memory_space<vmem>> -> memref<1x16x128xf32, #tpu.memory_space<vmem>>
    %dma_start3A_148 = tpu.memref_squeeze %dma_start3A_147 : memref<1x16x128xf32, #tpu.memory_space<vmem>> -> memref<16x128xf32, #tpu.memory_space<vmem>>
    %dma_start3A_149 = arith.constant 0 : i32
    %dma_start3A_150 = tpu.memref_slice %arg4[%dma_start3A_149, %multiple_of3A_102] : memref<32x1000000xf32, #tpu.memory_space<hbm>> -> memref<16x128xf32, #tpu.memory_space<hbm>>
    tpu.enqueue_dma source(%dma_start3A_150 : memref<16x128xf32, #tpu.memory_space<hbm>>) target(%dma_start3A_148 : memref<16x128xf32, #tpu.memory_space<vmem>>) target_semaphore(%dma_start3A_144 : memref<!tpu.dma_semaphore, #tpu.memory_space<semaphore_mem>>)
    %dma_start3A_151 = arith.constant 1 : i32
    %dma_start3A_152 = arith.constant 1 : i32
    %dma_start3A_153 = arith.constant 16 : i32
    %dma_start3A_154 = arith.constant 0 : i32
    %dma_start3A_155 = tpu.memref_slice %arg10[%dma_start3A_151, %dma_start3A_153, %dma_start3A_154] : memref<6x32x128xf32, #tpu.memory_space<vmem>> -> memref<1x16x128xf32, #tpu.memory_space<vmem>>
    %dma_start3A_156 = tpu.memref_squeeze %dma_start3A_155 : memref<1x16x128xf32, #tpu.memory_space<vmem>> -> memref<16x128xf32, #tpu.memory_space<vmem>>
    %dma_start3A_157 = arith.constant 16 : i32
    %dma_start3A_158 = tpu.memref_slice %arg4[%dma_start3A_157, %multiple_of3A_102] : memref<32x1000000xf32, #tpu.memory_space<hbm>> -> memref<16x128xf32, #tpu.memory_space<hbm>>
    %dma_start3A_159 = tpu.memref_slice %arg14[%dma_start3A_152] : memref<6x!tpu.dma_semaphore, #tpu.memory_space<semaphore_mem>> -> memref<1x!tpu.dma_semaphore, #tpu.memory_space<semaphore_mem>>
    %dma_start3A_160 = tpu.memref_squeeze %dma_start3A_159 : memref<1x!tpu.dma_semaphore, #tpu.memory_space<semaphore_mem>> -> memref<!tpu.dma_semaphore, #tpu.memory_space<semaphore_mem>>
    %dma_start3A_161 = arith.constant 16 : i32
    %dma_start3A_162 = arith.constant 0 : i32
    %dma_start3A_163 = tpu.memref_slice %arg10[%dma_start3A_151, %dma_start3A_161, %dma_start3A_162] : memref<6x32x128xf32, #tpu.memory_space<vmem>> -> memref<1x16x128xf32, #tpu.memory_space<vmem>>
    %dma_start3A_164 = tpu.memref_squeeze %dma_start3A_163 : memref<1x16x128xf32, #tpu.memory_space<vmem>> -> memref<16x128xf32, #tpu.memory_space<vmem>>
    %dma_start3A_165 = arith.constant 16 : i32
    %dma_start3A_166 = tpu.memref_slice %arg4[%dma_start3A_165, %multiple_of3A_102] : memref<32x1000000xf32, #tpu.memory_space<hbm>> -> memref<16x128xf32, #tpu.memory_space<hbm>>
    tpu.enqueue_dma source(%dma_start3A_166 : memref<16x128xf32, #tpu.memory_space<hbm>>) target(%dma_start3A_164 : memref<16x128xf32, #tpu.memory_space<vmem>>) target_semaphore(%dma_start3A_160 : memref<!tpu.dma_semaphore, #tpu.memory_space<semaphore_mem>>)
    %get3A_167 = arith.constant 2 : index
    %get3A_168 = tpu.vector_load %arg7[%get3A_167] {strides = array<i32>} : memref<528xi32, #tpu.memory_space<vmem>>, vector<16xi32>,
    %slice3A_169 = vector.extract_strided_slice %get3A_168 {offsets = [0], sizes = [1], strides = [1]} : vector<16xi32> to vector<1xi32>
    %squeeze3A_170 = vector.extract %slice3A_169[0] : i32 from vector<1xi32>
    %get3A_171 = arith.constant 2 : index
    %get3A_172 = tpu.vector_load %arg8[%get3A_171] {strides = array<i32>} : memref<528xi32, #tpu.memory_space<vmem>>, vector<16xi32>,
    %slice3A_173 = vector.extract_strided_slice %get3A_172 {offsets = [0], sizes = [1], strides = [1]} : vector<16xi32> to vector<1xi32>
    %squeeze3A_174 = vector.extract %slice3A_173[0] : i32 from vector<1xi32>
    %shift_right_arithmetic3A_175 = arith.constant 7 : i32
    %shift_right_arithmetic3A_176 = arith.shrsi %squeeze3A_170, %shift_right_arithmetic3A_175 : i32
    %mul3A_177 = arith.constant 128 : i32
    %mul3A_178 = arith.muli %shift_right_arithmetic3A_176, %mul3A_177 : i32
    %multiple_of3A_179 = tpu.assume_multiple %mul3A_178, 128 : i32
    %shift_right_arithmetic3A_180 = arith.constant 7 : i32
    %shift_right_arithmetic3A_181 = arith.shrsi %squeeze3A_174, %shift_right_arithmetic3A_180 : i32
    %mul3A_182 = arith.constant 128 : i32
    %mul3A_183 = arith.muli %shift_right_arithmetic3A_181, %mul3A_182 : i32
    %multiple_of3A_184 = tpu.assume_multiple %mul3A_183, 128 : i32
    %dma_start3A_185 = arith.constant 2 : i32
    %dma_start3A_186 = arith.constant 2 : i32
    %dma_start3A_187 = arith.constant 0 : i32
    %dma_start3A_188 = arith.constant 0 : i32
    %dma_start3A_189 = tpu.memref_slice %arg9[%dma_start3A_185, %dma_start3A_187, %dma_start3A_188] : memref<6x32x128xf32, #tpu.memory_space<vmem>> -> memref<1x16x128xf32, #tpu.memory_space<vmem>>
    %dma_start3A_190 = tpu.memref_squeeze %dma_start3A_189 : memref<1x16x128xf32, #tpu.memory_space<vmem>> -> memref<16x128xf32, #tpu.memory_space<vmem>>
    %dma_start3A_191 = arith.constant 0 : i32
    %dma_start3A_192 = tpu.memref_slice %arg3[%dma_start3A_191, %multiple_of3A_179] : memref<32x1000000xf32, #tpu.memory_space<hbm>> -> memref<16x128xf32, #tpu.memory_space<hbm>>
    %dma_start3A_193 = tpu.memref_slice %arg13[%dma_start3A_186] : memref<6x!tpu.dma_semaphore, #tpu.memory_space<semaphore_mem>> -> memref<1x!tpu.dma_semaphore, #tpu.memory_space<semaphore_mem>>
    %dma_start3A_194 = tpu.memref_squeeze %dma_start3A_193 : memref<1x!tpu.dma_semaphore, #tpu.memory_space<semaphore_mem>> -> memref<!tpu.dma_semaphore, #tpu.memory_space<semaphore_mem>>
    %dma_start3A_195 = arith.constant 0 : i32
    %dma_start3A_196 = arith.constant 0 : i32
    %dma_start3A_197 = tpu.memref_slice %arg9[%dma_start3A_185, %dma_start3A_195, %dma_start3A_196] : memref<6x32x128xf32, #tpu.memory_space<vmem>> -> memref<1x16x128xf32, #tpu.memory_space<vmem>>
    %dma_start3A_198 = tpu.memref_squeeze %dma_start3A_197 : memref<1x16x128xf32, #tpu.memory_space<vmem>> -> memref<16x128xf32, #tpu.memory_space<vmem>>
    %dma_start3A_199 = arith.constant 0 : i32
    %dma_start3A_200 = tpu.memref_slice %arg3[%dma_start3A_199, %multiple_of3A_179] : memref<32x1000000xf32, #tpu.memory_space<hbm>> -> memref<16x128xf32, #tpu.memory_space<hbm>>
    tpu.enqueue_dma source(%dma_start3A_200 : memref<16x128xf32, #tpu.memory_space<hbm>>) target(%dma_start3A_198 : memref<16x128xf32, #tpu.memory_space<vmem>>) target_semaphore(%dma_start3A_194 : memref<!tpu.dma_semaphore, #tpu.memory_space<semaphore_mem>>)
    %dma_start3A_201 = arith.constant 2 : i32
    %dma_start3A_202 = arith.constant 2 : i32
    %dma_start3A_203 = arith.constant 16 : i32
    %dma_start3A_204 = arith.constant 0 : i32
    %dma_start3A_205 = tpu.memref_slice %arg9[%dma_start3A_201, %dma_start3A_203, %dma_start3A_204] : memref<6x32x128xf32, #tpu.memory_space<vmem>> -> memref<1x16x128xf32, #tpu.memory_space<vmem>>
    %dma_start3A_206 = tpu.memref_squeeze %dma_start3A_205 : memref<1x16x128xf32, #tpu.memory_space<vmem>> -> memref<16x128xf32, #tpu.memory_space<vmem>>
    %dma_start3A_207 = arith.constant 16 : i32
    %dma_start3A_208 = tpu.memref_slice %arg3[%dma_start3A_207, %multiple_of3A_179] : memref<32x1000000xf32, #tpu.memory_space<hbm>> -> memref<16x128xf32, #tpu.memory_space<hbm>>
    %dma_start3A_209 = tpu.memref_slice %arg14[%dma_start3A_202] : memref<6x!tpu.dma_semaphore, #tpu.memory_space<semaphore_mem>> -> memref<1x!tpu.dma_semaphore, #tpu.memory_space<semaphore_mem>>
    %dma_start3A_210 = tpu.memref_squeeze %dma_start3A_209 : memref<1x!tpu.dma_semaphore, #tpu.memory_space<semaphore_mem>> -> memref<!tpu.dma_semaphore, #tpu.memory_space<semaphore_mem>>
    %dma_start3A_211 = arith.constant 16 : i32
    %dma_start3A_212 = arith.constant 0 : i32
    %dma_start3A_213 = tpu.memref_slice %arg9[%dma_start3A_201, %dma_start3A_211, %dma_start3A_212] : memref<6x32x128xf32, #tpu.memory_space<vmem>> -> memref<1x16x128xf32, #tpu.memory_space<vmem>>
    %dma_start3A_214 = tpu.memref_squeeze %dma_start3A_213 : memref<1x16x128xf32, #tpu.memory_space<vmem>> -> memref<16x128xf32, #tpu.memory_space<vmem>>
    %dma_start3A_215 = arith.constant 16 : i32
    %dma_start3A_216 = tpu.memref_slice %arg3[%dma_start3A_215, %multiple_of3A_179] : memref<32x1000000xf32, #tpu.memory_space<hbm>> -> memref<16x128xf32, #tpu.memory_space<hbm>>
    tpu.enqueue_dma source(%dma_start3A_216 : memref<16x128xf32, #tpu.memory_space<hbm>>) target(%dma_start3A_214 : memref<16x128xf32, #tpu.memory_space<vmem>>) target_semaphore(%dma_start3A_210 : memref<!tpu.dma_semaphore, #tpu.memory_space<semaphore_mem>>)
    %dma_start3A_217 = arith.constant 2 : i32
    %dma_start3A_218 = arith.constant 2 : i32
    %dma_start3A_219 = arith.constant 0 : i32
    %dma_start3A_220 = arith.constant 0 : i32
    %dma_start3A_221 = tpu.memref_slice %arg10[%dma_start3A_217, %dma_start3A_219, %dma_start3A_220] : memref<6x32x128xf32, #tpu.memory_space<vmem>> -> memref<1x16x128xf32, #tpu.memory_space<vmem>>
    %dma_start3A_222 = tpu.memref_squeeze %dma_start3A_221 : memref<1x16x128xf32, #tpu.memory_space<vmem>> -> memref<16x128xf32, #tpu.memory_space<vmem>>
    %dma_start3A_223 = arith.constant 0 : i32
    %dma_start3A_224 = tpu.memref_slice %arg4[%dma_start3A_223, %multiple_of3A_184] : memref<32x1000000xf32, #tpu.memory_space<hbm>> -> memref<16x128xf32, #tpu.memory_space<hbm>>
    %dma_start3A_225 = tpu.memref_slice %arg13[%dma_start3A_218] : memref<6x!tpu.dma_semaphore, #tpu.memory_space<semaphore_mem>> -> memref<1x!tpu.dma_semaphore, #tpu.memory_space<semaphore_mem>>
    %dma_start3A_226 = tpu.memref_squeeze %dma_start3A_225 : memref<1x!tpu.dma_semaphore, #tpu.memory_space<semaphore_mem>> -> memref<!tpu.dma_semaphore, #tpu.memory_space<semaphore_mem>>
    %dma_start3A_227 = arith.constant 0 : i32
    %dma_start3A_228 = arith.constant 0 : i32
    %dma_start3A_229 = tpu.memref_slice %arg10[%dma_start3A_217, %dma_start3A_227, %dma_start3A_228] : memref<6x32x128xf32, #tpu.memory_space<vmem>> -> memref<1x16x128xf32, #tpu.memory_space<vmem>>
    %dma_start3A_230 = tpu.memref_squeeze %dma_start3A_229 : memref<1x16x128xf32, #tpu.memory_space<vmem>> -> memref<16x128xf32, #tpu.memory_space<vmem>>
    %dma_start3A_231 = arith.constant 0 : i32
    %dma_start3A_232 = tpu.memref_slice %arg4[%dma_start3A_231, %multiple_of3A_184] : memref<32x1000000xf32, #tpu.memory_space<hbm>> -> memref<16x128xf32, #tpu.memory_space<hbm>>
    tpu.enqueue_dma source(%dma_start3A_232 : memref<16x128xf32, #tpu.memory_space<hbm>>) target(%dma_start3A_230 : memref<16x128xf32, #tpu.memory_space<vmem>>) target_semaphore(%dma_start3A_226 : memref<!tpu.dma_semaphore, #tpu.memory_space<semaphore_mem>>)
    %dma_start3A_233 = arith.constant 2 : i32
    %dma_start3A_234 = arith.constant 2 : i32
    %dma_start3A_235 = arith.constant 16 : i32
    %dma_start3A_236 = arith.constant 0 : i32
    %dma_start3A_237 = tpu.memref_slice %arg10[%dma_start3A_233, %dma_start3A_235, %dma_start3A_236] : memref<6x32x128xf32, #tpu.memory_space<vmem>> -> memref<1x16x128xf32, #tpu.memory_space<vmem>>
    %dma_start3A_238 = tpu.memref_squeeze %dma_start3A_237 : memref<1x16x128xf32, #tpu.memory_space<vmem>> -> memref<16x128xf32, #tpu.memory_space<vmem>>
    %dma_start3A_239 = arith.constant 16 : i32
    %dma_start3A_240 = tpu.memref_slice %arg4[%dma_start3A_239, %multiple_of3A_184] : memref<32x1000000xf32, #tpu.memory_space<hbm>> -> memref<16x128xf32, #tpu.memory_space<hbm>>
    %dma_start3A_241 = tpu.memref_slice %arg14[%dma_start3A_234] : memref<6x!tpu.dma_semaphore, #tpu.memory_space<semaphore_mem>> -> memref<1x!tpu.dma_semaphore, #tpu.memory_space<semaphore_mem>>
    %dma_start3A_242 = tpu.memref_squeeze %dma_start3A_241 : memref<1x!tpu.dma_semaphore, #tpu.memory_space<semaphore_mem>> -> memref<!tpu.dma_semaphore, #tpu.memory_space<semaphore_mem>>
    %dma_start3A_243 = arith.constant 16 : i32
    %dma_start3A_244 = arith.constant 0 : i32
    %dma_start3A_245 = tpu.memref_slice %arg10[%dma_start3A_233, %dma_start3A_243, %dma_start3A_244] : memref<6x32x128xf32, #tpu.memory_space<vmem>> -> memref<1x16x128xf32, #tpu.memory_space<vmem>>
    %dma_start3A_246 = tpu.memref_squeeze %dma_start3A_245 : memref<1x16x128xf32, #tpu.memory_space<vmem>> -> memref<16x128xf32, #tpu.memory_space<vmem>>
    %dma_start3A_247 = arith.constant 16 : i32
    %dma_start3A_248 = tpu.memref_slice %arg4[%dma_start3A_247, %multiple_of3A_184] : memref<32x1000000xf32, #tpu.memory_space<hbm>> -> memref<16x128xf32, #tpu.memory_space<hbm>>
    tpu.enqueue_dma source(%dma_start3A_248 : memref<16x128xf32, #tpu.memory_space<hbm>>) target(%dma_start3A_246 : memref<16x128xf32, #tpu.memory_space<vmem>>) target_semaphore(%dma_start3A_242 : memref<!tpu.dma_semaphore, #tpu.memory_space<semaphore_mem>>)
    %get3A_249 = arith.constant 3 : index
    %get3A_250 = tpu.vector_load %arg7[%get3A_249] {strides = array<i32>} : memref<528xi32, #tpu.memory_space<vmem>>, vector<16xi32>,
    %slice3A_251 = vector.extract_strided_slice %get3A_250 {offsets = [0], sizes = [1], strides = [1]} : vector<16xi32> to vector<1xi32>
    %squeeze3A_252 = vector.extract %slice3A_251[0] : i32 from vector<1xi32>
    %get3A_253 = arith.constant 3 : index
    %get3A_254 = tpu.vector_load %arg8[%get3A_253] {strides = array<i32>} : memref<528xi32, #tpu.memory_space<vmem>>, vector<16xi32>,
    %slice3A_255 = vector.extract_strided_slice %get3A_254 {offsets = [0], sizes = [1], strides = [1]} : vector<16xi32> to vector<1xi32>
    %squeeze3A_256 = vector.extract %slice3A_255[0] : i32 from vector<1xi32>
    %shift_right_arithmetic3A_257 = arith.constant 7 : i32
    %shift_right_arithmetic3A_258 = arith.shrsi %squeeze3A_252, %shift_right_arithmetic3A_257 : i32
    %mul3A_259 = arith.constant 128 : i32
    %mul3A_260 = arith.muli %shift_right_arithmetic3A_258, %mul3A_259 : i32
    %multiple_of3A_261 = tpu.assume_multiple %mul3A_260, 128 : i32
    %shift_right_arithmetic3A_262 = arith.constant 7 : i32
    %shift_right_arithmetic3A_263 = arith.shrsi %squeeze3A_256, %shift_right_arithmetic3A_262 : i32
    %mul3A_264 = arith.constant 128 : i32
    %mul3A_265 = arith.muli %shift_right_arithmetic3A_263, %mul3A_264 : i32
    %multiple_of3A_266 = tpu.assume_multiple %mul3A_265, 128 : i32
    %dma_start3A_267 = arith.constant 3 : i32
    %dma_start3A_268 = arith.constant 3 : i32
    %dma_start3A_269 = arith.constant 0 : i32
    %dma_start3A_270 = arith.constant 0 : i32
    %dma_start3A_271 = tpu.memref_slice %arg9[%dma_start3A_267, %dma_start3A_269, %dma_start3A_270] : memref<6x32x128xf32, #tpu.memory_space<vmem>> -> memref<1x16x128xf32, #tpu.memory_space<vmem>>
    %dma_start3A_272 = tpu.memref_squeeze %dma_start3A_271 : memref<1x16x128xf32, #tpu.memory_space<vmem>> -> memref<16x128xf32, #tpu.memory_space<vmem>>
    %dma_start3A_273 = arith.constant 0 : i32
    %dma_start3A_274 = tpu.memref_slice %arg3[%dma_start3A_273, %multiple_of3A_261] : memref<32x1000000xf32, #tpu.memory_space<hbm>> -> memref<16x128xf32, #tpu.memory_space<hbm>>
    %dma_start3A_275 = tpu.memref_slice %arg13[%dma_start3A_268] : memref<6x!tpu.dma_semaphore, #tpu.memory_space<semaphore_mem>> -> memref<1x!tpu.dma_semaphore, #tpu.memory_space<semaphore_mem>>
    %dma_start3A_276 = tpu.memref_squeeze %dma_start3A_275 : memref<1x!tpu.dma_semaphore, #tpu.memory_space<semaphore_mem>> -> memref<!tpu.dma_semaphore, #tpu.memory_space<semaphore_mem>>
    %dma_start3A_277 = arith.constant 0 : i32
    %dma_start3A_278 = arith.constant 0 : i32
    %dma_start3A_279 = tpu.memref_slice %arg9[%dma_start3A_267, %dma_start3A_277, %dma_start3A_278] : memref<6x32x128xf32, #tpu.memory_space<vmem>> -> memref<1x16x128xf32, #tpu.memory_space<vmem>>
    %dma_start3A_280 = tpu.memref_squeeze %dma_start3A_279 : memref<1x16x128xf32, #tpu.memory_space<vmem>> -> memref<16x128xf32, #tpu.memory_space<vmem>>
    %dma_start3A_281 = arith.constant 0 : i32
    %dma_start3A_282 = tpu.memref_slice %arg3[%dma_start3A_281, %multiple_of3A_261] : memref<32x1000000xf32, #tpu.memory_space<hbm>> -> memref<16x128xf32, #tpu.memory_space<hbm>>
    tpu.enqueue_dma source(%dma_start3A_282 : memref<16x128xf32, #tpu.memory_space<hbm>>) target(%dma_start3A_280 : memref<16x128xf32, #tpu.memory_space<vmem>>) target_semaphore(%dma_start3A_276 : memref<!tpu.dma_semaphore, #tpu.memory_space<semaphore_mem>>)
    %dma_start3A_283 = arith.constant 3 : i32
    %dma_start3A_284 = arith.constant 3 : i32
    %dma_start3A_285 = arith.constant 16 : i32
    %dma_start3A_286 = arith.constant 0 : i32
    %dma_start3A_287 = tpu.memref_slice %arg9[%dma_start3A_283, %dma_start3A_285, %dma_start3A_286] : memref<6x32x128xf32, #tpu.memory_space<vmem>> -> memref<1x16x128xf32, #tpu.memory_space<vmem>>
    %dma_start3A_288 = tpu.memref_squeeze %dma_start3A_287 : memref<1x16x128xf32, #tpu.memory_space<vmem>> -> memref<16x128xf32, #tpu.memory_space<vmem>>
    %dma_start3A_289 = arith.constant 16 : i32
    %dma_start3A_290 = tpu.memref_slice %arg3[%dma_start3A_289, %multiple_of3A_261] : memref<32x1000000xf32, #tpu.memory_space<hbm>> -> memref<16x128xf32, #tpu.memory_space<hbm>>
    %dma_start3A_291 = tpu.memref_slice %arg14[%dma_start3A_284] : memref<6x!tpu.dma_semaphore, #tpu.memory_space<semaphore_mem>> -> memref<1x!tpu.dma_semaphore, #tpu.memory_space<semaphore_mem>>
    %dma_start3A_292 = tpu.memref_squeeze %dma_start3A_291 : memref<1x!tpu.dma_semaphore, #tpu.memory_space<semaphore_mem>> -> memref<!tpu.dma_semaphore, #tpu.memory_space<semaphore_mem>>
    %dma_start3A_293 = arith.constant 16 : i32
    %dma_start3A_294 = arith.constant 0 : i32
    %dma_start3A_295 = tpu.memref_slice %arg9[%dma_start3A_283, %dma_start3A_293, %dma_start3A_294] : memref<6x32x128xf32, #tpu.memory_space<vmem>> -> memref<1x16x128xf32, #tpu.memory_space<vmem>>
    %dma_start3A_296 = tpu.memref_squeeze %dma_start3A_295 : memref<1x16x128xf32, #tpu.memory_space<vmem>> -> memref<16x128xf32, #tpu.memory_space<vmem>>
    %dma_start3A_297 = arith.constant 16 : i32
    %dma_start3A_298 = tpu.memref_slice %arg3[%dma_start3A_297, %multiple_of3A_261] : memref<32x1000000xf32, #tpu.memory_space<hbm>> -> memref<16x128xf32, #tpu.memory_space<hbm>>
    tpu.enqueue_dma source(%dma_start3A_298 : memref<16x128xf32, #tpu.memory_space<hbm>>) target(%dma_start3A_296 : memref<16x128xf32, #tpu.memory_space<vmem>>) target_semaphore(%dma_start3A_292 : memref<!tpu.dma_semaphore, #tpu.memory_space<semaphore_mem>>)
    %dma_start3A_299 = arith.constant 3 : i32
    %dma_start3A_300 = arith.constant 3 : i32
    %dma_start3A_301 = arith.constant 0 : i32
    %dma_start3A_302 = arith.constant 0 : i32
    %dma_start3A_303 = tpu.memref_slice %arg10[%dma_start3A_299, %dma_start3A_301, %dma_start3A_302] : memref<6x32x128xf32, #tpu.memory_space<vmem>> -> memref<1x16x128xf32, #tpu.memory_space<vmem>>
    %dma_start3A_304 = tpu.memref_squeeze %dma_start3A_303 : memref<1x16x128xf32, #tpu.memory_space<vmem>> -> memref<16x128xf32, #tpu.memory_space<vmem>>
    %dma_start3A_305 = arith.constant 0 : i32
    %dma_start3A_306 = tpu.memref_slice %arg4[%dma_start3A_305, %multiple_of3A_266] : memref<32x1000000xf32, #tpu.memory_space<hbm>> -> memref<16x128xf32, #tpu.memory_space<hbm>>
    %dma_start3A_307 = tpu.memref_slice %arg13[%dma_start3A_300] : memref<6x!tpu.dma_semaphore, #tpu.memory_space<semaphore_mem>> -> memref<1x!tpu.dma_semaphore, #tpu.memory_space<semaphore_mem>>
    %dma_start3A_308 = tpu.memref_squeeze %dma_start3A_307 : memref<1x!tpu.dma_semaphore, #tpu.memory_space<semaphore_mem>> -> memref<!tpu.dma_semaphore, #tpu.memory_space<semaphore_mem>>
    %dma_start3A_309 = arith.constant 0 : i32
    %dma_start3A_310 = arith.constant 0 : i32
    %dma_start3A_311 = tpu.memref_slice %arg10[%dma_start3A_299, %dma_start3A_309, %dma_start3A_310] : memref<6x32x128xf32, #tpu.memory_space<vmem>> -> memref<1x16x128xf32, #tpu.memory_space<vmem>>
    %dma_start3A_312 = tpu.memref_squeeze %dma_start3A_311 : memref<1x16x128xf32, #tpu.memory_space<vmem>> -> memref<16x128xf32, #tpu.memory_space<vmem>>
    %dma_start3A_313 = arith.constant 0 : i32
    %dma_start3A_314 = tpu.memref_slice %arg4[%dma_start3A_313, %multiple_of3A_266] : memref<32x1000000xf32, #tpu.memory_space<hbm>> -> memref<16x128xf32, #tpu.memory_space<hbm>>
    tpu.enqueue_dma source(%dma_start3A_314 : memref<16x128xf32, #tpu.memory_space<hbm>>) target(%dma_start3A_312 : memref<16x128xf32, #tpu.memory_space<vmem>>) target_semaphore(%dma_start3A_308 : memref<!tpu.dma_semaphore, #tpu.memory_space<semaphore_mem>>)
    %dma_start3A_315 = arith.constant 3 : i32
    %dma_start3A_316 = arith.constant 3 : i32
    %dma_start3A_317 = arith.constant 16 : i32
    %dma_start3A_318 = arith.constant 0 : i32
    %dma_start3A_319 = tpu.memref_slice %arg10[%dma_start3A_315, %dma_start3A_317, %dma_start3A_318] : memref<6x32x128xf32, #tpu.memory_space<vmem>> -> memref<1x16x128xf32, #tpu.memory_space<vmem>>
    %dma_start3A_320 = tpu.memref_squeeze %dma_start3A_319 : memref<1x16x128xf32, #tpu.memory_space<vmem>> -> memref<16x128xf32, #tpu.memory_space<vmem>>
    %dma_start3A_321 = arith.constant 16 : i32
    %dma_start3A_322 = tpu.memref_slice %arg4[%dma_start3A_321, %multiple_of3A_266] : memref<32x1000000xf32, #tpu.memory_space<hbm>> -> memref<16x128xf32, #tpu.memory_space<hbm>>
    %dma_start3A_323 = tpu.memref_slice %arg14[%dma_start3A_316] : memref<6x!tpu.dma_semaphore, #tpu.memory_space<semaphore_mem>> -> memref<1x!tpu.dma_semaphore, #tpu.memory_space<semaphore_mem>>
    %dma_start3A_324 = tpu.memref_squeeze %dma_start3A_323 : memref<1x!tpu.dma_semaphore, #tpu.memory_space<semaphore_mem>> -> memref<!tpu.dma_semaphore, #tpu.memory_space<semaphore_mem>>
    %dma_start3A_325 = arith.constant 16 : i32
    %dma_start3A_326 = arith.constant 0 : i32
    %dma_start3A_327 = tpu.memref_slice %arg10[%dma_start3A_315, %dma_start3A_325, %dma_start3A_326] : memref<6x32x128xf32, #tpu.memory_space<vmem>> -> memref<1x16x128xf32, #tpu.memory_space<vmem>>
    %dma_start3A_328 = tpu.memref_squeeze %dma_start3A_327 : memref<1x16x128xf32, #tpu.memory_space<vmem>> -> memref<16x128xf32, #tpu.memory_space<vmem>>
    %dma_start3A_329 = arith.constant 16 : i32
    %dma_start3A_330 = tpu.memref_slice %arg4[%dma_start3A_329, %multiple_of3A_266] : memref<32x1000000xf32, #tpu.memory_space<hbm>> -> memref<16x128xf32, #tpu.memory_space<hbm>>
    tpu.enqueue_dma source(%dma_start3A_330 : memref<16x128xf32, #tpu.memory_space<hbm>>) target(%dma_start3A_328 : memref<16x128xf32, #tpu.memory_space<vmem>>) target_semaphore(%dma_start3A_324 : memref<!tpu.dma_semaphore, #tpu.memory_space<semaphore_mem>>)
    %get3A_331 = arith.constant 4 : index
    %get3A_332 = tpu.vector_load %arg7[%get3A_331] {strides = array<i32>} : memref<528xi32, #tpu.memory_space<vmem>>, vector<16xi32>,
    %slice3A_333 = vector.extract_strided_slice %get3A_332 {offsets = [0], sizes = [1], strides = [1]} : vector<16xi32> to vector<1xi32>
    %squeeze3A_334 = vector.extract %slice3A_333[0] : i32 from vector<1xi32>
    %get3A_335 = arith.constant 4 : index
    %get3A_336 = tpu.vector_load %arg8[%get3A_335] {strides = array<i32>} : memref<528xi32, #tpu.memory_space<vmem>>, vector<16xi32>,
    %slice3A_337 = vector.extract_strided_slice %get3A_336 {offsets = [0], sizes = [1], strides = [1]} : vector<16xi32> to vector<1xi32>
    %squeeze3A_338 = vector.extract %slice3A_337[0] : i32 from vector<1xi32>
    %shift_right_arithmetic3A_339 = arith.constant 7 : i32
    %shift_right_arithmetic3A_340 = arith.shrsi %squeeze3A_334, %shift_right_arithmetic3A_339 : i32
    %mul3A_341 = arith.constant 128 : i32
    %mul3A_342 = arith.muli %shift_right_arithmetic3A_340, %mul3A_341 : i32
    %multiple_of3A_343 = tpu.assume_multiple %mul3A_342, 128 : i32
    %shift_right_arithmetic3A_344 = arith.constant 7 : i32
    %shift_right_arithmetic3A_345 = arith.shrsi %squeeze3A_338, %shift_right_arithmetic3A_344 : i32
    %mul3A_346 = arith.constant 128 : i32
    %mul3A_347 = arith.muli %shift_right_arithmetic3A_345, %mul3A_346 : i32
    %multiple_of3A_348 = tpu.assume_multiple %mul3A_347, 128 : i32
    %dma_start3A_349 = arith.constant 4 : i32
    %dma_start3A_350 = arith.constant 4 : i32
    %dma_start3A_351 = arith.constant 0 : i32
    %dma_start3A_352 = arith.constant 0 : i32
    %dma_start3A_353 = tpu.memref_slice %arg9[%dma_start3A_349, %dma_start3A_351, %dma_start3A_352] : memref<6x32x128xf32, #tpu.memory_space<vmem>> -> memref<1x16x128xf32, #tpu.memory_space<vmem>>
    %dma_start3A_354 = tpu.memref_squeeze %dma_start3A_353 : memref<1x16x128xf32, #tpu.memory_space<vmem>> -> memref<16x128xf32, #tpu.memory_space<vmem>>
    %dma_start3A_355 = arith.constant 0 : i32
    %dma_start3A_356 = tpu.memref_slice %arg3[%dma_start3A_355, %multiple_of3A_343] : memref<32x1000000xf32, #tpu.memory_space<hbm>> -> memref<16x128xf32, #tpu.memory_space<hbm>>
    %dma_start3A_357 = tpu.memref_slice %arg13[%dma_start3A_350] : memref<6x!tpu.dma_semaphore, #tpu.memory_space<semaphore_mem>> -> memref<1x!tpu.dma_semaphore, #tpu.memory_space<semaphore_mem>>
    %dma_start3A_358 = tpu.memref_squeeze %dma_start3A_357 : memref<1x!tpu.dma_semaphore, #tpu.memory_space<semaphore_mem>> -> memref<!tpu.dma_semaphore, #tpu.memory_space<semaphore_mem>>
    %dma_start3A_359 = arith.constant 0 : i32
    %dma_start3A_360 = arith.constant 0 : i32
    %dma_start3A_361 = tpu.memref_slice %arg9[%dma_start3A_349, %dma_start3A_359, %dma_start3A_360] : memref<6x32x128xf32, #tpu.memory_space<vmem>> -> memref<1x16x128xf32, #tpu.memory_space<vmem>>
    %dma_start3A_362 = tpu.memref_squeeze %dma_start3A_361 : memref<1x16x128xf32, #tpu.memory_space<vmem>> -> memref<16x128xf32, #tpu.memory_space<vmem>>
    %dma_start3A_363 = arith.constant 0 : i32
    %dma_start3A_364 = tpu.memref_slice %arg3[%dma_start3A_363, %multiple_of3A_343] : memref<32x1000000xf32, #tpu.memory_space<hbm>> -> memref<16x128xf32, #tpu.memory_space<hbm>>
    tpu.enqueue_dma source(%dma_start3A_364 : memref<16x128xf32, #tpu.memory_space<hbm>>) target(%dma_start3A_362 : memref<16x128xf32, #tpu.memory_space<vmem>>) target_semaphore(%dma_start3A_358 : memref<!tpu.dma_semaphore, #tpu.memory_space<semaphore_mem>>)
    %dma_start3A_365 = arith.constant 4 : i32
    %dma_start3A_366 = arith.constant 4 : i32
    %dma_start3A_367 = arith.constant 16 : i32
    %dma_start3A_368 = arith.constant 0 : i32
    %dma_start3A_369 = tpu.memref_slice %arg9[%dma_start3A_365, %dma_start3A_367, %dma_start3A_368] : memref<6x32x128xf32, #tpu.memory_space<vmem>> -> memref<1x16x128xf32, #tpu.memory_space<vmem>>
    %dma_start3A_370 = tpu.memref_squeeze %dma_start3A_369 : memref<1x16x128xf32, #tpu.memory_space<vmem>> -> memref<16x128xf32, #tpu.memory_space<vmem>>
    %dma_start3A_371 = arith.constant 16 : i32
    %dma_start3A_372 = tpu.memref_slice %arg3[%dma_start3A_371, %multiple_of3A_343] : memref<32x1000000xf32, #tpu.memory_space<hbm>> -> memref<16x128xf32, #tpu.memory_space<hbm>>
    %dma_start3A_373 = tpu.memref_slice %arg14[%dma_start3A_366] : memref<6x!tpu.dma_semaphore, #tpu.memory_space<semaphore_mem>> -> memref<1x!tpu.dma_semaphore, #tpu.memory_space<semaphore_mem>>
    %dma_start3A_374 = tpu.memref_squeeze %dma_start3A_373 : memref<1x!tpu.dma_semaphore, #tpu.memory_space<semaphore_mem>> -> memref<!tpu.dma_semaphore, #tpu.memory_space<semaphore_mem>>
    %dma_start3A_375 = arith.constant 16 : i32
    %dma_start3A_376 = arith.constant 0 : i32
    %dma_start3A_377 = tpu.memref_slice %arg9[%dma_start3A_365, %dma_start3A_375, %dma_start3A_376] : memref<6x32x128xf32, #tpu.memory_space<vmem>> -> memref<1x16x128xf32, #tpu.memory_space<vmem>>
    %dma_start3A_378 = tpu.memref_squeeze %dma_start3A_377 : memref<1x16x128xf32, #tpu.memory_space<vmem>> -> memref<16x128xf32, #tpu.memory_space<vmem>>
    %dma_start3A_379 = arith.constant 16 : i32
    %dma_start3A_380 = tpu.memref_slice %arg3[%dma_start3A_379, %multiple_of3A_343] : memref<32x1000000xf32, #tpu.memory_space<hbm>> -> memref<16x128xf32, #tpu.memory_space<hbm>>
    tpu.enqueue_dma source(%dma_start3A_380 : memref<16x128xf32, #tpu.memory_space<hbm>>) target(%dma_start3A_378 : memref<16x128xf32, #tpu.memory_space<vmem>>) target_semaphore(%dma_start3A_374 : memref<!tpu.dma_semaphore, #tpu.memory_space<semaphore_mem>>)
    %dma_start3A_381 = arith.constant 4 : i32
    %dma_start3A_382 = arith.constant 4 : i32
    %dma_start3A_383 = arith.constant 0 : i32
    %dma_start3A_384 = arith.constant 0 : i32
    %dma_start3A_385 = tpu.memref_slice %arg10[%dma_start3A_381, %dma_start3A_383, %dma_start3A_384] : memref<6x32x128xf32, #tpu.memory_space<vmem>> -> memref<1x16x128xf32, #tpu.memory_space<vmem>>
    %dma_start3A_386 = tpu.memref_squeeze %dma_start3A_385 : memref<1x16x128xf32, #tpu.memory_space<vmem>> -> memref<16x128xf32, #tpu.memory_space<vmem>>
    %dma_start3A_387 = arith.constant 0 : i32
    %dma_start3A_388 = tpu.memref_slice %arg4[%dma_start3A_387, %multiple_of3A_348] : memref<32x1000000xf32, #tpu.memory_space<hbm>> -> memref<16x128xf32, #tpu.memory_space<hbm>>
    %dma_start3A_389 = tpu.memref_slice %arg13[%dma_start3A_382] : memref<6x!tpu.dma_semaphore, #tpu.memory_space<semaphore_mem>> -> memref<1x!tpu.dma_semaphore, #tpu.memory_space<semaphore_mem>>
    %dma_start3A_390 = tpu.memref_squeeze %dma_start3A_389 : memref<1x!tpu.dma_semaphore, #tpu.memory_space<semaphore_mem>> -> memref<!tpu.dma_semaphore, #tpu.memory_space<semaphore_mem>>
    %dma_start3A_391 = arith.constant 0 : i32
    %dma_start3A_392 = arith.constant 0 : i32
    %dma_start3A_393 = tpu.memref_slice %arg10[%dma_start3A_381, %dma_start3A_391, %dma_start3A_392] : memref<6x32x128xf32, #tpu.memory_space<vmem>> -> memref<1x16x128xf32, #tpu.memory_space<vmem>>
    %dma_start3A_394 = tpu.memref_squeeze %dma_start3A_393 : memref<1x16x128xf32, #tpu.memory_space<vmem>> -> memref<16x128xf32, #tpu.memory_space<vmem>>
    %dma_start3A_395 = arith.constant 0 : i32
    %dma_start3A_396 = tpu.memref_slice %arg4[%dma_start3A_395, %multiple_of3A_348] : memref<32x1000000xf32, #tpu.memory_space<hbm>> -> memref<16x128xf32, #tpu.memory_space<hbm>>
    tpu.enqueue_dma source(%dma_start3A_396 : memref<16x128xf32, #tpu.memory_space<hbm>>) target(%dma_start3A_394 : memref<16x128xf32, #tpu.memory_space<vmem>>) target_semaphore(%dma_start3A_390 : memref<!tpu.dma_semaphore, #tpu.memory_space<semaphore_mem>>)
    %dma_start3A_397 = arith.constant 4 : i32
    %dma_start3A_398 = arith.constant 4 : i32
    %dma_start3A_399 = arith.constant 16 : i32
    %dma_start3A_400 = arith.constant 0 : i32
    %dma_start3A_401 = tpu.memref_slice %arg10[%dma_start3A_397, %dma_start3A_399, %dma_start3A_400] : memref<6x32x128xf32, #tpu.memory_space<vmem>> -> memref<1x16x128xf32, #tpu.memory_space<vmem>>
    %dma_start3A_402 = tpu.memref_squeeze %dma_start3A_401 : memref<1x16x128xf32, #tpu.memory_space<vmem>> -> memref<16x128xf32, #tpu.memory_space<vmem>>
    %dma_start3A_403 = arith.constant 16 : i32
    %dma_start3A_404 = tpu.memref_slice %arg4[%dma_start3A_403, %multiple_of3A_348] : memref<32x1000000xf32, #tpu.memory_space<hbm>> -> memref<16x128xf32, #tpu.memory_space<hbm>>
    %dma_start3A_405 = tpu.memref_slice %arg14[%dma_start3A_398] : memref<6x!tpu.dma_semaphore, #tpu.memory_space<semaphore_mem>> -> memref<1x!tpu.dma_semaphore, #tpu.memory_space<semaphore_mem>>
    %dma_start3A_406 = tpu.memref_squeeze %dma_start3A_405 : memref<1x!tpu.dma_semaphore, #tpu.memory_space<semaphore_mem>> -> memref<!tpu.dma_semaphore, #tpu.memory_space<semaphore_mem>>
    %dma_start3A_407 = arith.constant 16 : i32
    %dma_start3A_408 = arith.constant 0 : i32
    %dma_start3A_409 = tpu.memref_slice %arg10[%dma_start3A_397, %dma_start3A_407, %dma_start3A_408] : memref<6x32x128xf32, #tpu.memory_space<vmem>> -> memref<1x16x128xf32, #tpu.memory_space<vmem>>
    %dma_start3A_410 = tpu.memref_squeeze %dma_start3A_409 : memref<1x16x128xf32, #tpu.memory_space<vmem>> -> memref<16x128xf32, #tpu.memory_space<vmem>>
    %dma_start3A_411 = arith.constant 16 : i32
    %dma_start3A_412 = tpu.memref_slice %arg4[%dma_start3A_411, %multiple_of3A_348] : memref<32x1000000xf32, #tpu.memory_space<hbm>> -> memref<16x128xf32, #tpu.memory_space<hbm>>
    tpu.enqueue_dma source(%dma_start3A_412 : memref<16x128xf32, #tpu.memory_space<hbm>>) target(%dma_start3A_410 : memref<16x128xf32, #tpu.memory_space<vmem>>) target_semaphore(%dma_start3A_406 : memref<!tpu.dma_semaphore, #tpu.memory_space<semaphore_mem>>)
    %get3A_413 = arith.constant 5 : index
    %get3A_414 = tpu.vector_load %arg7[%get3A_413] {strides = array<i32>} : memref<528xi32, #tpu.memory_space<vmem>>, vector<16xi32>,
    %slice3A_415 = vector.extract_strided_slice %get3A_414 {offsets = [0], sizes = [1], strides = [1]} : vector<16xi32> to vector<1xi32>
    %squeeze3A_416 = vector.extract %slice3A_415[0] : i32 from vector<1xi32>
    %get3A_417 = arith.constant 5 : index
    %get3A_418 = tpu.vector_load %arg8[%get3A_417] {strides = array<i32>} : memref<528xi32, #tpu.memory_space<vmem>>, vector<16xi32>,
    %slice3A_419 = vector.extract_strided_slice %get3A_418 {offsets = [0], sizes = [1], strides = [1]} : vector<16xi32> to vector<1xi32>
    %squeeze3A_420 = vector.extract %slice3A_419[0] : i32 from vector<1xi32>
    %shift_right_arithmetic3A_421 = arith.constant 7 : i32
    %shift_right_arithmetic3A_422 = arith.shrsi %squeeze3A_416, %shift_right_arithmetic3A_421 : i32
    %mul3A_423 = arith.constant 128 : i32
    %mul3A_424 = arith.muli %shift_right_arithmetic3A_422, %mul3A_423 : i32
    %multiple_of3A_425 = tpu.assume_multiple %mul3A_424, 128 : i32
    %shift_right_arithmetic3A_426 = arith.constant 7 : i32
    %shift_right_arithmetic3A_427 = arith.shrsi %squeeze3A_420, %shift_right_arithmetic3A_426 : i32
    %mul3A_428 = arith.constant 128 : i32
    %mul3A_429 = arith.muli %shift_right_arithmetic3A_427, %mul3A_428 : i32
    %multiple_of3A_430 = tpu.assume_multiple %mul3A_429, 128 : i32
    %dma_start3A_431 = arith.constant 5 : i32
    %dma_start3A_432 = arith.constant 5 : i32
    %dma_start3A_433 = arith.constant 0 : i32
    %dma_start3A_434 = arith.constant 0 : i32
    %dma_start3A_435 = tpu.memref_slice %arg9[%dma_start3A_431, %dma_start3A_433, %dma_start3A_434] : memref<6x32x128xf32, #tpu.memory_space<vmem>> -> memref<1x16x128xf32, #tpu.memory_space<vmem>>
    %dma_start3A_436 = tpu.memref_squeeze %dma_start3A_435 : memref<1x16x128xf32, #tpu.memory_space<vmem>> -> memref<16x128xf32, #tpu.memory_space<vmem>>
    %dma_start3A_437 = arith.constant 0 : i32
    %dma_start3A_438 = tpu.memref_slice %arg3[%dma_start3A_437, %multiple_of3A_425] : memref<32x1000000xf32, #tpu.memory_space<hbm>> -> memref<16x128xf32, #tpu.memory_space<hbm>>
    %dma_start3A_439 = tpu.memref_slice %arg13[%dma_start3A_432] : memref<6x!tpu.dma_semaphore, #tpu.memory_space<semaphore_mem>> -> memref<1x!tpu.dma_semaphore, #tpu.memory_space<semaphore_mem>>
    %dma_start3A_440 = tpu.memref_squeeze %dma_start3A_439 : memref<1x!tpu.dma_semaphore, #tpu.memory_space<semaphore_mem>> -> memref<!tpu.dma_semaphore, #tpu.memory_space<semaphore_mem>>
    %dma_start3A_441 = arith.constant 0 : i32
    %dma_start3A_442 = arith.constant 0 : i32
    %dma_start3A_443 = tpu.memref_slice %arg9[%dma_start3A_431, %dma_start3A_441, %dma_start3A_442] : memref<6x32x128xf32, #tpu.memory_space<vmem>> -> memref<1x16x128xf32, #tpu.memory_space<vmem>>
    %dma_start3A_444 = tpu.memref_squeeze %dma_start3A_443 : memref<1x16x128xf32, #tpu.memory_space<vmem>> -> memref<16x128xf32, #tpu.memory_space<vmem>>
    %dma_start3A_445 = arith.constant 0 : i32
    %dma_start3A_446 = tpu.memref_slice %arg3[%dma_start3A_445, %multiple_of3A_425] : memref<32x1000000xf32, #tpu.memory_space<hbm>> -> memref<16x128xf32, #tpu.memory_space<hbm>>
    tpu.enqueue_dma source(%dma_start3A_446 : memref<16x128xf32, #tpu.memory_space<hbm>>) target(%dma_start3A_444 : memref<16x128xf32, #tpu.memory_space<vmem>>) target_semaphore(%dma_start3A_440 : memref<!tpu.dma_semaphore, #tpu.memory_space<semaphore_mem>>)
    %dma_start3A_447 = arith.constant 5 : i32
    %dma_start3A_448 = arith.constant 5 : i32
    %dma_start3A_449 = arith.constant 16 : i32
    %dma_start3A_450 = arith.constant 0 : i32
    %dma_start3A_451 = tpu.memref_slice %arg9[%dma_start3A_447, %dma_start3A_449, %dma_start3A_450] : memref<6x32x128xf32, #tpu.memory_space<vmem>> -> memref<1x16x128xf32, #tpu.memory_space<vmem>>
    %dma_start3A_452 = tpu.memref_squeeze %dma_start3A_451 : memref<1x16x128xf32, #tpu.memory_space<vmem>> -> memref<16x128xf32, #tpu.memory_space<vmem>>
    %dma_start3A_453 = arith.constant 16 : i32
    %dma_start3A_454 = tpu.memref_slice %arg3[%dma_start3A_453, %multiple_of3A_425] : memref<32x1000000xf32, #tpu.memory_space<hbm>> -> memref<16x128xf32, #tpu.memory_space<hbm>>
    %dma_start3A_455 = tpu.memref_slice %arg14[%dma_start3A_448] : memref<6x!tpu.dma_semaphore, #tpu.memory_space<semaphore_mem>> -> memref<1x!tpu.dma_semaphore, #tpu.memory_space<semaphore_mem>>
    %dma_start3A_456 = tpu.memref_squeeze %dma_start3A_455 : memref<1x!tpu.dma_semaphore, #tpu.memory_space<semaphore_mem>> -> memref<!tpu.dma_semaphore, #tpu.memory_space<semaphore_mem>>
    %dma_start3A_457 = arith.constant 16 : i32
    %dma_start3A_458 = arith.constant 0 : i32
    %dma_start3A_459 = tpu.memref_slice %arg9[%dma_start3A_447, %dma_start3A_457, %dma_start3A_458] : memref<6x32x128xf32, #tpu.memory_space<vmem>> -> memref<1x16x128xf32, #tpu.memory_space<vmem>>
    %dma_start3A_460 = tpu.memref_squeeze %dma_start3A_459 : memref<1x16x128xf32, #tpu.memory_space<vmem>> -> memref<16x128xf32, #tpu.memory_space<vmem>>
    %dma_start3A_461 = arith.constant 16 : i32
    %dma_start3A_462 = tpu.memref_slice %arg3[%dma_start3A_461, %multiple_of3A_425] : memref<32x1000000xf32, #tpu.memory_space<hbm>> -> memref<16x128xf32, #tpu.memory_space<hbm>>
    tpu.enqueue_dma source(%dma_start3A_462 : memref<16x128xf32, #tpu.memory_space<hbm>>) target(%dma_start3A_460 : memref<16x128xf32, #tpu.memory_space<vmem>>) target_semaphore(%dma_start3A_456 : memref<!tpu.dma_semaphore, #tpu.memory_space<semaphore_mem>>)
    %dma_start3A_463 = arith.constant 5 : i32
    %dma_start3A_464 = arith.constant 5 : i32
    %dma_start3A_465 = arith.constant 0 : i32
    %dma_start3A_466 = arith.constant 0 : i32
    %dma_start3A_467 = tpu.memref_slice %arg10[%dma_start3A_463, %dma_start3A_465, %dma_start3A_466] : memref<6x32x128xf32, #tpu.memory_space<vmem>> -> memref<1x16x128xf32, #tpu.memory_space<vmem>>
    %dma_start3A_468 = tpu.memref_squeeze %dma_start3A_467 : memref<1x16x128xf32, #tpu.memory_space<vmem>> -> memref<16x128xf32, #tpu.memory_space<vmem>>
    %dma_start3A_469 = arith.constant 0 : i32
    %dma_start3A_470 = tpu.memref_slice %arg4[%dma_start3A_469, %multiple_of3A_430] : memref<32x1000000xf32, #tpu.memory_space<hbm>> -> memref<16x128xf32, #tpu.memory_space<hbm>>
    %dma_start3A_471 = tpu.memref_slice %arg13[%dma_start3A_464] : memref<6x!tpu.dma_semaphore, #tpu.memory_space<semaphore_mem>> -> memref<1x!tpu.dma_semaphore, #tpu.memory_space<semaphore_mem>>
    %dma_start3A_472 = tpu.memref_squeeze %dma_start3A_471 : memref<1x!tpu.dma_semaphore, #tpu.memory_space<semaphore_mem>> -> memref<!tpu.dma_semaphore, #tpu.memory_space<semaphore_mem>>
    %dma_start3A_473 = arith.constant 0 : i32
    %dma_start3A_474 = arith.constant 0 : i32
    %dma_start3A_475 = tpu.memref_slice %arg10[%dma_start3A_463, %dma_start3A_473, %dma_start3A_474] : memref<6x32x128xf32, #tpu.memory_space<vmem>> -> memref<1x16x128xf32, #tpu.memory_space<vmem>>
    %dma_start3A_476 = tpu.memref_squeeze %dma_start3A_475 : memref<1x16x128xf32, #tpu.memory_space<vmem>> -> memref<16x128xf32, #tpu.memory_space<vmem>>
    %dma_start3A_477 = arith.constant 0 : i32
    %dma_start3A_478 = tpu.memref_slice %arg4[%dma_start3A_477, %multiple_of3A_430] : memref<32x1000000xf32, #tpu.memory_space<hbm>> -> memref<16x128xf32, #tpu.memory_space<hbm>>
    tpu.enqueue_dma source(%dma_start3A_478 : memref<16x128xf32, #tpu.memory_space<hbm>>) target(%dma_start3A_476 : memref<16x128xf32, #tpu.memory_space<vmem>>) target_semaphore(%dma_start3A_472 : memref<!tpu.dma_semaphore, #tpu.memory_space<semaphore_mem>>)
    %dma_start3A_479 = arith.constant 5 : i32
    %dma_start3A_480 = arith.constant 5 : i32
    %dma_start3A_481 = arith.constant 16 : i32
    %dma_start3A_482 = arith.constant 0 : i32
    %dma_start3A_483 = tpu.memref_slice %arg10[%dma_start3A_479, %dma_start3A_481, %dma_start3A_482] : memref<6x32x128xf32, #tpu.memory_space<vmem>> -> memref<1x16x128xf32, #tpu.memory_space<vmem>>
    %dma_start3A_484 = tpu.memref_squeeze %dma_start3A_483 : memref<1x16x128xf32, #tpu.memory_space<vmem>> -> memref<16x128xf32, #tpu.memory_space<vmem>>
    %dma_start3A_485 = arith.constant 16 : i32
    %dma_start3A_486 = tpu.memref_slice %arg4[%dma_start3A_485, %multiple_of3A_430] : memref<32x1000000xf32, #tpu.memory_space<hbm>> -> memref<16x128xf32, #tpu.memory_space<hbm>>
    %dma_start3A_487 = tpu.memref_slice %arg14[%dma_start3A_480] : memref<6x!tpu.dma_semaphore, #tpu.memory_space<semaphore_mem>> -> memref<1x!tpu.dma_semaphore, #tpu.memory_space<semaphore_mem>>
    %dma_start3A_488 = tpu.memref_squeeze %dma_start3A_487 : memref<1x!tpu.dma_semaphore, #tpu.memory_space<semaphore_mem>> -> memref<!tpu.dma_semaphore, #tpu.memory_space<semaphore_mem>>
    %dma_start3A_489 = arith.constant 16 : i32
    %dma_start3A_490 = arith.constant 0 : i32
    %dma_start3A_491 = tpu.memref_slice %arg10[%dma_start3A_479, %dma_start3A_489, %dma_start3A_490] : memref<6x32x128xf32, #tpu.memory_space<vmem>> -> memref<1x16x128xf32, #tpu.memory_space<vmem>>
    %dma_start3A_492 = tpu.memref_squeeze %dma_start3A_491 : memref<1x16x128xf32, #tpu.memory_space<vmem>> -> memref<16x128xf32, #tpu.memory_space<vmem>>
    %dma_start3A_493 = arith.constant 16 : i32
    %dma_start3A_494 = tpu.memref_slice %arg4[%dma_start3A_493, %multiple_of3A_430] : memref<32x1000000xf32, #tpu.memory_space<hbm>> -> memref<16x128xf32, #tpu.memory_space<hbm>>
    tpu.enqueue_dma source(%dma_start3A_494 : memref<16x128xf32, #tpu.memory_space<hbm>>) target(%dma_start3A_492 : memref<16x128xf32, #tpu.memory_space<vmem>>) target_semaphore(%dma_start3A_488 : memref<!tpu.dma_semaphore, #tpu.memory_space<semaphore_mem>>)
    %iota3A_495 = tpu.iota {dimensions = array<i32: 0>} : vector<16xi32>
    %add3A_496 = arith.constant 16 : i32
    %add3A_497 = vector.broadcast %add3A_496 : i32 to vector<16xi32>
    %add3A_498 = arith.addi %iota3A_495, %add3A_497 : vector<16xi32>
    %broadcast_in_dim3A = arith.constant 0 : i32
    %broadcast_in_dim3A_499 = vector.broadcast %broadcast_in_dim3A : i32 to vector<16xi32>
    %scan3A_500 = arith.constant 0 : i32
    %scan3A_501 = arith.constant 512 : i32
    %scan3A_502 = arith.addi %scan3A_500, %scan3A_501 : i32
    %scan3A_503 = arith.constant 1 : i32
    scf.for %scan3A_725 = %scan3A_500 to %scan3A_502 step %scan3A_503  : i32 {
      %rem3A = arith.constant 6 : i32
      %rem3A_726 = arith.remsi %scan3A_725, %rem3A : i32
      %dma_wait3A_727 = arith.constant 0 : i32
      %dma_wait3A_728 = arith.constant 0 : i32
      %dma_wait3A_729 = tpu.memref_slice %arg9[%rem3A_726, %dma_wait3A_727, %dma_wait3A_728] : memref<6x32x128xf32, #tpu.memory_space<vmem>> -> memref<1x32x128xf32, #tpu.memory_space<vmem>>
      %dma_wait3A_730 = tpu.memref_squeeze %dma_wait3A_729 : memref<1x32x128xf32, #tpu.memory_space<vmem>> -> memref<32x128xf32, #tpu.memory_space<vmem>>
      %dma_wait3A_731 = arith.constant 0 : i32
      %dma_wait3A_732 = arith.constant 0 : i32
      %dma_wait3A_733 = tpu.memref_slice %arg3[%dma_wait3A_731, %dma_wait3A_732] : memref<32x1000000xf32, #tpu.memory_space<hbm>> -> memref<32x128xf32, #tpu.memory_space<hbm>>
      %dma_wait3A_734 = tpu.memref_slice %arg13[%rem3A_726] : memref<6x!tpu.dma_semaphore, #tpu.memory_space<semaphore_mem>> -> memref<1x!tpu.dma_semaphore, #tpu.memory_space<semaphore_mem>>
      %dma_wait3A_735 = tpu.memref_squeeze %dma_wait3A_734 : memref<1x!tpu.dma_semaphore, #tpu.memory_space<semaphore_mem>> -> memref<!tpu.dma_semaphore, #tpu.memory_space<semaphore_mem>>
      %dma_wait3A_736 = arith.constant 0 : i32
      %dma_wait3A_737 = arith.constant 0 : i32
      %dma_wait3A_738 = tpu.memref_slice %arg9[%rem3A_726, %dma_wait3A_736, %dma_wait3A_737] : memref<6x32x128xf32, #tpu.memory_space<vmem>> -> memref<1x32x128xf32, #tpu.memory_space<vmem>>
      %dma_wait3A_739 = tpu.memref_squeeze %dma_wait3A_738 : memref<1x32x128xf32, #tpu.memory_space<vmem>> -> memref<32x128xf32, #tpu.memory_space<vmem>>
      %dma_wait3A_740 = arith.constant 0 : i32
      %dma_wait3A_741 = arith.constant 0 : i32
      %dma_wait3A_742 = tpu.memref_slice %arg3[%dma_wait3A_740, %dma_wait3A_741] : memref<32x1000000xf32, #tpu.memory_space<hbm>> -> memref<32x128xf32, #tpu.memory_space<hbm>>
      tpu.wait_dma2 semaphore(%dma_wait3A_735 : memref<!tpu.dma_semaphore, #tpu.memory_space<semaphore_mem>>) src(%dma_wait3A_742 : memref<32x128xf32, #tpu.memory_space<hbm>>) dst(%dma_wait3A_739 : memref<32x128xf32, #tpu.memory_space<vmem>>)
      %dma_wait3A_743 = arith.constant 0 : i32
      %dma_wait3A_744 = arith.constant 0 : i32
      %dma_wait3A_745 = tpu.memref_slice %arg10[%rem3A_726, %dma_wait3A_743, %dma_wait3A_744] : memref<6x32x128xf32, #tpu.memory_space<vmem>> -> memref<1x32x128xf32, #tpu.memory_space<vmem>>
      %dma_wait3A_746 = tpu.memref_squeeze %dma_wait3A_745 : memref<1x32x128xf32, #tpu.memory_space<vmem>> -> memref<32x128xf32, #tpu.memory_space<vmem>>
      %dma_wait3A_747 = arith.constant 0 : i32
      %dma_wait3A_748 = arith.constant 0 : i32
      %dma_wait3A_749 = tpu.memref_slice %arg4[%dma_wait3A_747, %dma_wait3A_748] : memref<32x1000000xf32, #tpu.memory_space<hbm>> -> memref<32x128xf32, #tpu.memory_space<hbm>>
      %dma_wait3A_750 = tpu.memref_slice %arg14[%rem3A_726] : memref<6x!tpu.dma_semaphore, #tpu.memory_space<semaphore_mem>> -> memref<1x!tpu.dma_semaphore, #tpu.memory_space<semaphore_mem>>
      %dma_wait3A_751 = tpu.memref_squeeze %dma_wait3A_750 : memref<1x!tpu.dma_semaphore, #tpu.memory_space<semaphore_mem>> -> memref<!tpu.dma_semaphore, #tpu.memory_space<semaphore_mem>>
      %dma_wait3A_752 = arith.constant 0 : i32
      %dma_wait3A_753 = arith.constant 0 : i32
      %dma_wait3A_754 = tpu.memref_slice %arg10[%rem3A_726, %dma_wait3A_752, %dma_wait3A_753] : memref<6x32x128xf32, #tpu.memory_space<vmem>> -> memref<1x32x128xf32, #tpu.memory_space<vmem>>
      %dma_wait3A_755 = tpu.memref_squeeze %dma_wait3A_754 : memref<1x32x128xf32, #tpu.memory_space<vmem>> -> memref<32x128xf32, #tpu.memory_space<vmem>>
      %dma_wait3A_756 = arith.constant 0 : i32
      %dma_wait3A_757 = arith.constant 0 : i32
      %dma_wait3A_758 = tpu.memref_slice %arg4[%dma_wait3A_756, %dma_wait3A_757] : memref<32x1000000xf32, #tpu.memory_space<hbm>> -> memref<32x128xf32, #tpu.memory_space<hbm>>
      tpu.wait_dma2 semaphore(%dma_wait3A_751 : memref<!tpu.dma_semaphore, #tpu.memory_space<semaphore_mem>>) src(%dma_wait3A_758 : memref<32x128xf32, #tpu.memory_space<hbm>>) dst(%dma_wait3A_755 : memref<32x128xf32, #tpu.memory_space<vmem>>)
      %get3A_759 = arith.index_cast %scan3A_725 : i32 to index
      %get3A_760 = tpu.vector_load %arg7[%get3A_759] {strides = array<i32>} : memref<528xi32, #tpu.memory_space<vmem>>, vector<16xi32>,
      %slice3A_761 = vector.extract_strided_slice %get3A_760 {offsets = [0], sizes = [1], strides = [1]} : vector<16xi32> to vector<1xi32>
      %squeeze3A_762 = vector.extract %slice3A_761[0] : i32 from vector<1xi32>
      %and3A = arith.constant 127 : i32
      %and3A_763 = arith.andi %squeeze3A_762, %and3A : i32
      %broadcast_in_dim3A_764 = vector.broadcast %and3A_763 : i32 to vector<16xi32>
      %get3A_765 = arith.index_cast %scan3A_725 : i32 to index
      %get3A_766 = tpu.vector_load %arg8[%get3A_765] {strides = array<i32>} : memref<528xi32, #tpu.memory_space<vmem>>, vector<16xi32>,
      %slice3A_767 = vector.extract_strided_slice %get3A_766 {offsets = [0], sizes = [1], strides = [1]} : vector<16xi32> to vector<1xi32>
      %squeeze3A_768 = vector.extract %slice3A_767[0] : i32 from vector<1xi32>
      %and3A_769 = arith.constant 127 : i32
      %and3A_770 = arith.andi %squeeze3A_768, %and3A_769 : i32
      %broadcast_in_dim3A_771 = vector.broadcast %and3A_770 : i32 to vector<16xi32>
      %add3A_772 = vector.broadcast %rem3A_726 : i32 to vector<16xi32>
      %add3A_773 = arith.addi %broadcast_in_dim3A_499, %add3A_772 : vector<16xi32>
      %gather3A = tpu.vector_load_idx %arg9[%add3A_773, %iota3A_495, %broadcast_in_dim3A_764] : memref<6x32x128xf32, #tpu.memory_space<vmem>>[vector<16xi32>, vector<16xi32>, vector<16xi32>], vector<16xf32>,
      %gather3A_774 = tpu.vector_load_idx %arg9[%add3A_773, %add3A_498, %broadcast_in_dim3A_764] : memref<6x32x128xf32, #tpu.memory_space<vmem>>[vector<16xi32>, vector<16xi32>, vector<16xi32>], vector<16xf32>,
      %gather3A_775 = tpu.vector_load_idx %arg10[%add3A_773, %iota3A_495, %broadcast_in_dim3A_771] : memref<6x32x128xf32, #tpu.memory_space<vmem>>[vector<16xi32>, vector<16xi32>, vector<16xi32>], vector<16xf32>,
      %gather3A_776 = tpu.vector_load_idx %arg10[%add3A_773, %add3A_498, %broadcast_in_dim3A_771] : memref<6x32x128xf32, #tpu.memory_space<vmem>>[vector<16xi32>, vector<16xi32>, vector<16xi32>], vector<16xf32>,
      %mul3A_777 = arith.mulf %gather3A, %gather3A_775 : vector<16xf32>
      %mul3A_778 = arith.mulf %gather3A_774, %gather3A_776 : vector<16xf32>
      %add3A_779 = arith.addf %mul3A_777, %mul3A_778 : vector<16xf32>
      %swap3A = arith.index_cast %scan3A_725 : i32 to index
      %swap3A_780 = arith.constant 0 : index
      %swap3A_781 = tpu.vector_load %arg11[%swap3A, %swap3A_780] {strides = array<i32>} : memref<512x16xf32, #tpu.memory_space<vmem>>, vector<16xf32>,
      tpu.vector_store %arg11[%swap3A, %swap3A_780], %add3A_779 {strides = array<i32>} : memref<512x16xf32, #tpu.memory_space<vmem>>, vector<16xf32>,
      %add3A_782 = arith.constant 6 : i32
      %add3A_783 = arith.addi %scan3A_725, %add3A_782 : i32
      %min3A = arith.constant 511 : i32
      %min3A_784 = arith.minsi %add3A_783, %min3A : i32
      %get3A_785 = arith.index_cast %min3A_784 : i32 to index
      %get3A_786 = tpu.vector_load %arg7[%get3A_785] {strides = array<i32>} : memref<528xi32, #tpu.memory_space<vmem>>, vector<16xi32>,
      %slice3A_787 = vector.extract_strided_slice %get3A_786 {offsets = [0], sizes = [1], strides = [1]} : vector<16xi32> to vector<1xi32>
      %squeeze3A_788 = vector.extract %slice3A_787[0] : i32 from vector<1xi32>
      %get3A_789 = arith.index_cast %min3A_784 : i32 to index
      %get3A_790 = tpu.vector_load %arg8[%get3A_789] {strides = array<i32>} : memref<528xi32, #tpu.memory_space<vmem>>, vector<16xi32>,
      %slice3A_791 = vector.extract_strided_slice %get3A_790 {offsets = [0], sizes = [1], strides = [1]} : vector<16xi32> to vector<1xi32>
      %squeeze3A_792 = vector.extract %slice3A_791[0] : i32 from vector<1xi32>
      %shift_right_arithmetic3A_793 = arith.constant 7 : i32
      %shift_right_arithmetic3A_794 = arith.shrsi %squeeze3A_788, %shift_right_arithmetic3A_793 : i32
      %mul3A_795 = arith.constant 128 : i32
      %mul3A_796 = arith.muli %shift_right_arithmetic3A_794, %mul3A_795 : i32
      %multiple_of3A_797 = tpu.assume_multiple %mul3A_796, 128 : i32
      %shift_right_arithmetic3A_798 = arith.constant 7 : i32
      %shift_right_arithmetic3A_799 = arith.shrsi %squeeze3A_792, %shift_right_arithmetic3A_798 : i32
      %mul3A_800 = arith.constant 128 : i32
      %mul3A_801 = arith.muli %shift_right_arithmetic3A_799, %mul3A_800 : i32
      %multiple_of3A_802 = tpu.assume_multiple %mul3A_801, 128 : i32
      %dma_start3A_803 = arith.constant 0 : i32
      %dma_start3A_804 = arith.constant 0 : i32
      %dma_start3A_805 = tpu.memref_slice %arg9[%rem3A_726, %dma_start3A_803, %dma_start3A_804] : memref<6x32x128xf32, #tpu.memory_space<vmem>> -> memref<1x16x128xf32, #tpu.memory_space<vmem>>
      %dma_start3A_806 = tpu.memref_squeeze %dma_start3A_805 : memref<1x16x128xf32, #tpu.memory_space<vmem>> -> memref<16x128xf32, #tpu.memory_space<vmem>>
      %dma_start3A_807 = arith.constant 0 : i32
      %dma_start3A_808 = tpu.memref_slice %arg3[%dma_start3A_807, %multiple_of3A_797] : memref<32x1000000xf32, #tpu.memory_space<hbm>> -> memref<16x128xf32, #tpu.memory_space<hbm>>
      %dma_start3A_809 = tpu.memref_slice %arg13[%rem3A_726] : memref<6x!tpu.dma_semaphore, #tpu.memory_space<semaphore_mem>> -> memref<1x!tpu.dma_semaphore, #tpu.memory_space<semaphore_mem>>
      %dma_start3A_810 = tpu.memref_squeeze %dma_start3A_809 : memref<1x!tpu.dma_semaphore, #tpu.memory_space<semaphore_mem>> -> memref<!tpu.dma_semaphore, #tpu.memory_space<semaphore_mem>>
      %dma_start3A_811 = arith.constant 0 : i32
      %dma_start3A_812 = arith.constant 0 : i32
      %dma_start3A_813 = tpu.memref_slice %arg9[%rem3A_726, %dma_start3A_811, %dma_start3A_812] : memref<6x32x128xf32, #tpu.memory_space<vmem>> -> memref<1x16x128xf32, #tpu.memory_space<vmem>>
      %dma_start3A_814 = tpu.memref_squeeze %dma_start3A_813 : memref<1x16x128xf32, #tpu.memory_space<vmem>> -> memref<16x128xf32, #tpu.memory_space<vmem>>
      %dma_start3A_815 = arith.constant 0 : i32
      %dma_start3A_816 = tpu.memref_slice %arg3[%dma_start3A_815, %multiple_of3A_797] : memref<32x1000000xf32, #tpu.memory_space<hbm>> -> memref<16x128xf32, #tpu.memory_space<hbm>>
      tpu.enqueue_dma source(%dma_start3A_816 : memref<16x128xf32, #tpu.memory_space<hbm>>) target(%dma_start3A_814 : memref<16x128xf32, #tpu.memory_space<vmem>>) target_semaphore(%dma_start3A_810 : memref<!tpu.dma_semaphore, #tpu.memory_space<semaphore_mem>>)
      %dma_start3A_817 = arith.constant 16 : i32
      %dma_start3A_818 = arith.constant 0 : i32
      %dma_start3A_819 = tpu.memref_slice %arg9[%rem3A_726, %dma_start3A_817, %dma_start3A_818] : memref<6x32x128xf32, #tpu.memory_space<vmem>> -> memref<1x16x128xf32, #tpu.memory_space<vmem>>
      %dma_start3A_820 = tpu.memref_squeeze %dma_start3A_819 : memref<1x16x128xf32, #tpu.memory_space<vmem>> -> memref<16x128xf32, #tpu.memory_space<vmem>>
      %dma_start3A_821 = arith.constant 16 : i32
      %dma_start3A_822 = tpu.memref_slice %arg3[%dma_start3A_821, %multiple_of3A_797] : memref<32x1000000xf32, #tpu.memory_space<hbm>> -> memref<16x128xf32, #tpu.memory_space<hbm>>
      %dma_start3A_823 = tpu.memref_slice %arg14[%rem3A_726] : memref<6x!tpu.dma_semaphore, #tpu.memory_space<semaphore_mem>> -> memref<1x!tpu.dma_semaphore, #tpu.memory_space<semaphore_mem>>
      %dma_start3A_824 = tpu.memref_squeeze %dma_start3A_823 : memref<1x!tpu.dma_semaphore, #tpu.memory_space<semaphore_mem>> -> memref<!tpu.dma_semaphore, #tpu.memory_space<semaphore_mem>>
      %dma_start3A_825 = arith.constant 16 : i32
      %dma_start3A_826 = arith.constant 0 : i32
      %dma_start3A_827 = tpu.memref_slice %arg9[%rem3A_726, %dma_start3A_825, %dma_start3A_826] : memref<6x32x128xf32, #tpu.memory_space<vmem>> -> memref<1x16x128xf32, #tpu.memory_space<vmem>>
      %dma_start3A_828 = tpu.memref_squeeze %dma_start3A_827 : memref<1x16x128xf32, #tpu.memory_space<vmem>> -> memref<16x128xf32, #tpu.memory_space<vmem>>
      %dma_start3A_829 = arith.constant 16 : i32
      %dma_start3A_830 = tpu.memref_slice %arg3[%dma_start3A_829, %multiple_of3A_797] : memref<32x1000000xf32, #tpu.memory_space<hbm>> -> memref<16x128xf32, #tpu.memory_space<hbm>>
      tpu.enqueue_dma source(%dma_start3A_830 : memref<16x128xf32, #tpu.memory_space<hbm>>) target(%dma_start3A_828 : memref<16x128xf32, #tpu.memory_space<vmem>>) target_semaphore(%dma_start3A_824 : memref<!tpu.dma_semaphore, #tpu.memory_space<semaphore_mem>>)
      %dma_start3A_831 = arith.constant 0 : i32
      %dma_start3A_832 = arith.constant 0 : i32
      %dma_start3A_833 = tpu.memref_slice %arg10[%rem3A_726, %dma_start3A_831, %dma_start3A_832] : memref<6x32x128xf32, #tpu.memory_space<vmem>> -> memref<1x16x128xf32, #tpu.memory_space<vmem>>
      %dma_start3A_834 = tpu.memref_squeeze %dma_start3A_833 : memref<1x16x128xf32, #tpu.memory_space<vmem>> -> memref<16x128xf32, #tpu.memory_space<vmem>>
      %dma_start3A_835 = arith.constant 0 : i32
      %dma_start3A_836 = tpu.memref_slice %arg4[%dma_start3A_835, %multiple_of3A_802] : memref<32x1000000xf32, #tpu.memory_space<hbm>> -> memref<16x128xf32, #tpu.memory_space<hbm>>
      %dma_start3A_837 = tpu.memref_slice %arg13[%rem3A_726] : memref<6x!tpu.dma_semaphore, #tpu.memory_space<semaphore_mem>> -> memref<1x!tpu.dma_semaphore, #tpu.memory_space<semaphore_mem>>
      %dma_start3A_838 = tpu.memref_squeeze %dma_start3A_837 : memref<1x!tpu.dma_semaphore, #tpu.memory_space<semaphore_mem>> -> memref<!tpu.dma_semaphore, #tpu.memory_space<semaphore_mem>>
      %dma_start3A_839 = arith.constant 0 : i32
      %dma_start3A_840 = arith.constant 0 : i32
      %dma_start3A_841 = tpu.memref_slice %arg10[%rem3A_726, %dma_start3A_839, %dma_start3A_840] : memref<6x32x128xf32, #tpu.memory_space<vmem>> -> memref<1x16x128xf32, #tpu.memory_space<vmem>>
      %dma_start3A_842 = tpu.memref_squeeze %dma_start3A_841 : memref<1x16x128xf32, #tpu.memory_space<vmem>> -> memref<16x128xf32, #tpu.memory_space<vmem>>
      %dma_start3A_843 = arith.constant 0 : i32
      %dma_start3A_844 = tpu.memref_slice %arg4[%dma_start3A_843, %multiple_of3A_802] : memref<32x1000000xf32, #tpu.memory_space<hbm>> -> memref<16x128xf32, #tpu.memory_space<hbm>>
      tpu.enqueue_dma source(%dma_start3A_844 : memref<16x128xf32, #tpu.memory_space<hbm>>) target(%dma_start3A_842 : memref<16x128xf32, #tpu.memory_space<vmem>>) target_semaphore(%dma_start3A_838 : memref<!tpu.dma_semaphore, #tpu.memory_space<semaphore_mem>>)
      %dma_start3A_845 = arith.constant 16 : i32
      %dma_start3A_846 = arith.constant 0 : i32
      %dma_start3A_847 = tpu.memref_slice %arg10[%rem3A_726, %dma_start3A_845, %dma_start3A_846] : memref<6x32x128xf32, #tpu.memory_space<vmem>> -> memref<1x16x128xf32, #tpu.memory_space<vmem>>
      %dma_start3A_848 = tpu.memref_squeeze %dma_start3A_847 : memref<1x16x128xf32, #tpu.memory_space<vmem>> -> memref<16x128xf32, #tpu.memory_space<vmem>>
      %dma_start3A_849 = arith.constant 16 : i32
      %dma_start3A_850 = tpu.memref_slice %arg4[%dma_start3A_849, %multiple_of3A_802] : memref<32x1000000xf32, #tpu.memory_space<hbm>> -> memref<16x128xf32, #tpu.memory_space<hbm>>
      %dma_start3A_851 = tpu.memref_slice %arg14[%rem3A_726] : memref<6x!tpu.dma_semaphore, #tpu.memory_space<semaphore_mem>> -> memref<1x!tpu.dma_semaphore, #tpu.memory_space<semaphore_mem>>
      %dma_start3A_852 = tpu.memref_squeeze %dma_start3A_851 : memref<1x!tpu.dma_semaphore, #tpu.memory_space<semaphore_mem>> -> memref<!tpu.dma_semaphore, #tpu.memory_space<semaphore_mem>>
      %dma_start3A_853 = arith.constant 16 : i32
      %dma_start3A_854 = arith.constant 0 : i32
      %dma_start3A_855 = tpu.memref_slice %arg10[%rem3A_726, %dma_start3A_853, %dma_start3A_854] : memref<6x32x128xf32, #tpu.memory_space<vmem>> -> memref<1x16x128xf32, #tpu.memory_space<vmem>>
      %dma_start3A_856 = tpu.memref_squeeze %dma_start3A_855 : memref<1x16x128xf32, #tpu.memory_space<vmem>> -> memref<16x128xf32, #tpu.memory_space<vmem>>
      %dma_start3A_857 = arith.constant 16 : i32
      %dma_start3A_858 = tpu.memref_slice %arg4[%dma_start3A_857, %multiple_of3A_802] : memref<32x1000000xf32, #tpu.memory_space<hbm>> -> memref<16x128xf32, #tpu.memory_space<hbm>>
      tpu.enqueue_dma source(%dma_start3A_858 : memref<16x128xf32, #tpu.memory_space<hbm>>) target(%dma_start3A_856 : memref<16x128xf32, #tpu.memory_space<vmem>>) target_semaphore(%dma_start3A_852 : memref<!tpu.dma_semaphore, #tpu.memory_space<semaphore_mem>>)
    }
    %scan3A_504 = arith.constant 512 : i32
    %dma_wait3A = arith.constant 0 : i32
    %dma_wait3A_505 = arith.constant 0 : i32
    %dma_wait3A_506 = arith.constant 0 : i32
    %dma_wait3A_507 = arith.constant 0 : i32
    %dma_wait3A_508 = tpu.memref_slice %arg9[%dma_wait3A, %dma_wait3A_506, %dma_wait3A_507] : memref<6x32x128xf32, #tpu.memory_space<vmem>> -> memref<1x32x128xf32, #tpu.memory_space<vmem>>
    %dma_wait3A_509 = tpu.memref_squeeze %dma_wait3A_508 : memref<1x32x128xf32, #tpu.memory_space<vmem>> -> memref<32x128xf32, #tpu.memory_space<vmem>>
    %dma_wait3A_510 = arith.constant 0 : i32
    %dma_wait3A_511 = arith.constant 0 : i32
    %dma_wait3A_512 = tpu.memref_slice %arg3[%dma_wait3A_510, %dma_wait3A_511] : memref<32x1000000xf32, #tpu.memory_space<hbm>> -> memref<32x128xf32, #tpu.memory_space<hbm>>
    %dma_wait3A_513 = tpu.memref_slice %arg13[%dma_wait3A_505] : memref<6x!tpu.dma_semaphore, #tpu.memory_space<semaphore_mem>> -> memref<1x!tpu.dma_semaphore, #tpu.memory_space<semaphore_mem>>
    %dma_wait3A_514 = tpu.memref_squeeze %dma_wait3A_513 : memref<1x!tpu.dma_semaphore, #tpu.memory_space<semaphore_mem>> -> memref<!tpu.dma_semaphore, #tpu.memory_space<semaphore_mem>>
    %dma_wait3A_515 = arith.constant 0 : i32
    %dma_wait3A_516 = arith.constant 0 : i32
    %dma_wait3A_517 = tpu.memref_slice %arg9[%dma_wait3A, %dma_wait3A_515, %dma_wait3A_516] : memref<6x32x128xf32, #tpu.memory_space<vmem>> -> memref<1x32x128xf32, #tpu.memory_space<vmem>>
    %dma_wait3A_518 = tpu.memref_squeeze %dma_wait3A_517 : memref<1x32x128xf32, #tpu.memory_space<vmem>> -> memref<32x128xf32, #tpu.memory_space<vmem>>
    %dma_wait3A_519 = arith.constant 0 : i32
    %dma_wait3A_520 = arith.constant 0 : i32
    %dma_wait3A_521 = tpu.memref_slice %arg3[%dma_wait3A_519, %dma_wait3A_520] : memref<32x1000000xf32, #tpu.memory_space<hbm>> -> memref<32x128xf32, #tpu.memory_space<hbm>>
    tpu.wait_dma2 semaphore(%dma_wait3A_514 : memref<!tpu.dma_semaphore, #tpu.memory_space<semaphore_mem>>) src(%dma_wait3A_521 : memref<32x128xf32, #tpu.memory_space<hbm>>) dst(%dma_wait3A_518 : memref<32x128xf32, #tpu.memory_space<vmem>>)
    %dma_wait3A_522 = arith.constant 0 : i32
    %dma_wait3A_523 = arith.constant 0 : i32
    %dma_wait3A_524 = arith.constant 0 : i32
    %dma_wait3A_525 = arith.constant 0 : i32
    %dma_wait3A_526 = tpu.memref_slice %arg10[%dma_wait3A_522, %dma_wait3A_524, %dma_wait3A_525] : memref<6x32x128xf32, #tpu.memory_space<vmem>> -> memref<1x32x128xf32, #tpu.memory_space<vmem>>
    %dma_wait3A_527 = tpu.memref_squeeze %dma_wait3A_526 : memref<1x32x128xf32, #tpu.memory_space<vmem>> -> memref<32x128xf32, #tpu.memory_space<vmem>>
    %dma_wait3A_528 = arith.constant 0 : i32
    %dma_wait3A_529 = arith.constant 0 : i32
    %dma_wait3A_530 = tpu.memref_slice %arg4[%dma_wait3A_528, %dma_wait3A_529] : memref<32x1000000xf32, #tpu.memory_space<hbm>> -> memref<32x128xf32, #tpu.memory_space<hbm>>
    %dma_wait3A_531 = tpu.memref_slice %arg14[%dma_wait3A_523] : memref<6x!tpu.dma_semaphore, #tpu.memory_space<semaphore_mem>> -> memref<1x!tpu.dma_semaphore, #tpu.memory_space<semaphore_mem>>
    %dma_wait3A_532 = tpu.memref_squeeze %dma_wait3A_531 : memref<1x!tpu.dma_semaphore, #tpu.memory_space<semaphore_mem>> -> memref<!tpu.dma_semaphore, #tpu.memory_space<semaphore_mem>>
    %dma_wait3A_533 = arith.constant 0 : i32
    %dma_wait3A_534 = arith.constant 0 : i32
    %dma_wait3A_535 = tpu.memref_slice %arg10[%dma_wait3A_522, %dma_wait3A_533, %dma_wait3A_534] : memref<6x32x128xf32, #tpu.memory_space<vmem>> -> memref<1x32x128xf32, #tpu.memory_space<vmem>>
    %dma_wait3A_536 = tpu.memref_squeeze %dma_wait3A_535 : memref<1x32x128xf32, #tpu.memory_space<vmem>> -> memref<32x128xf32, #tpu.memory_space<vmem>>
    %dma_wait3A_537 = arith.constant 0 : i32
    %dma_wait3A_538 = arith.constant 0 : i32
    %dma_wait3A_539 = tpu.memref_slice %arg4[%dma_wait3A_537, %dma_wait3A_538] : memref<32x1000000xf32, #tpu.memory_space<hbm>> -> memref<32x128xf32, #tpu.memory_space<hbm>>
    tpu.wait_dma2 semaphore(%dma_wait3A_532 : memref<!tpu.dma_semaphore, #tpu.memory_space<semaphore_mem>>) src(%dma_wait3A_539 : memref<32x128xf32, #tpu.memory_space<hbm>>) dst(%dma_wait3A_536 : memref<32x128xf32, #tpu.memory_space<vmem>>)
    %dma_wait3A_540 = arith.constant 1 : i32
    %dma_wait3A_541 = arith.constant 1 : i32
    %dma_wait3A_542 = arith.constant 0 : i32
    %dma_wait3A_543 = arith.constant 0 : i32
    %dma_wait3A_544 = tpu.memref_slice %arg9[%dma_wait3A_540, %dma_wait3A_542, %dma_wait3A_543] : memref<6x32x128xf32, #tpu.memory_space<vmem>> -> memref<1x32x128xf32, #tpu.memory_space<vmem>>
    %dma_wait3A_545 = tpu.memref_squeeze %dma_wait3A_544 : memref<1x32x128xf32, #tpu.memory_space<vmem>> -> memref<32x128xf32, #tpu.memory_space<vmem>>
    %dma_wait3A_546 = arith.constant 0 : i32
    %dma_wait3A_547 = arith.constant 0 : i32
    %dma_wait3A_548 = tpu.memref_slice %arg3[%dma_wait3A_546, %dma_wait3A_547] : memref<32x1000000xf32, #tpu.memory_space<hbm>> -> memref<32x128xf32, #tpu.memory_space<hbm>>
    %dma_wait3A_549 = tpu.memref_slice %arg13[%dma_wait3A_541] : memref<6x!tpu.dma_semaphore, #tpu.memory_space<semaphore_mem>> -> memref<1x!tpu.dma_semaphore, #tpu.memory_space<semaphore_mem>>
    %dma_wait3A_550 = tpu.memref_squeeze %dma_wait3A_549 : memref<1x!tpu.dma_semaphore, #tpu.memory_space<semaphore_mem>> -> memref<!tpu.dma_semaphore, #tpu.memory_space<semaphore_mem>>
    %dma_wait3A_551 = arith.constant 0 : i32
    %dma_wait3A_552 = arith.constant 0 : i32
    %dma_wait3A_553 = tpu.memref_slice %arg9[%dma_wait3A_540, %dma_wait3A_551, %dma_wait3A_552] : memref<6x32x128xf32, #tpu.memory_space<vmem>> -> memref<1x32x128xf32, #tpu.memory_space<vmem>>
    %dma_wait3A_554 = tpu.memref_squeeze %dma_wait3A_553 : memref<1x32x128xf32, #tpu.memory_space<vmem>> -> memref<32x128xf32, #tpu.memory_space<vmem>>
    %dma_wait3A_555 = arith.constant 0 : i32
    %dma_wait3A_556 = arith.constant 0 : i32
    %dma_wait3A_557 = tpu.memref_slice %arg3[%dma_wait3A_555, %dma_wait3A_556] : memref<32x1000000xf32, #tpu.memory_space<hbm>> -> memref<32x128xf32, #tpu.memory_space<hbm>>
    tpu.wait_dma2 semaphore(%dma_wait3A_550 : memref<!tpu.dma_semaphore, #tpu.memory_space<semaphore_mem>>) src(%dma_wait3A_557 : memref<32x128xf32, #tpu.memory_space<hbm>>) dst(%dma_wait3A_554 : memref<32x128xf32, #tpu.memory_space<vmem>>)
    %dma_wait3A_558 = arith.constant 1 : i32
    %dma_wait3A_559 = arith.constant 1 : i32
    %dma_wait3A_560 = arith.constant 0 : i32
    %dma_wait3A_561 = arith.constant 0 : i32
    %dma_wait3A_562 = tpu.memref_slice %arg10[%dma_wait3A_558, %dma_wait3A_560, %dma_wait3A_561] : memref<6x32x128xf32, #tpu.memory_space<vmem>> -> memref<1x32x128xf32, #tpu.memory_space<vmem>>
    %dma_wait3A_563 = tpu.memref_squeeze %dma_wait3A_562 : memref<1x32x128xf32, #tpu.memory_space<vmem>> -> memref<32x128xf32, #tpu.memory_space<vmem>>
    %dma_wait3A_564 = arith.constant 0 : i32
    %dma_wait3A_565 = arith.constant 0 : i32
    %dma_wait3A_566 = tpu.memref_slice %arg4[%dma_wait3A_564, %dma_wait3A_565] : memref<32x1000000xf32, #tpu.memory_space<hbm>> -> memref<32x128xf32, #tpu.memory_space<hbm>>
    %dma_wait3A_567 = tpu.memref_slice %arg14[%dma_wait3A_559] : memref<6x!tpu.dma_semaphore, #tpu.memory_space<semaphore_mem>> -> memref<1x!tpu.dma_semaphore, #tpu.memory_space<semaphore_mem>>
    %dma_wait3A_568 = tpu.memref_squeeze %dma_wait3A_567 : memref<1x!tpu.dma_semaphore, #tpu.memory_space<semaphore_mem>> -> memref<!tpu.dma_semaphore, #tpu.memory_space<semaphore_mem>>
    %dma_wait3A_569 = arith.constant 0 : i32
    %dma_wait3A_570 = arith.constant 0 : i32
    %dma_wait3A_571 = tpu.memref_slice %arg10[%dma_wait3A_558, %dma_wait3A_569, %dma_wait3A_570] : memref<6x32x128xf32, #tpu.memory_space<vmem>> -> memref<1x32x128xf32, #tpu.memory_space<vmem>>
    %dma_wait3A_572 = tpu.memref_squeeze %dma_wait3A_571 : memref<1x32x128xf32, #tpu.memory_space<vmem>> -> memref<32x128xf32, #tpu.memory_space<vmem>>
    %dma_wait3A_573 = arith.constant 0 : i32
    %dma_wait3A_574 = arith.constant 0 : i32
    %dma_wait3A_575 = tpu.memref_slice %arg4[%dma_wait3A_573, %dma_wait3A_574] : memref<32x1000000xf32, #tpu.memory_space<hbm>> -> memref<32x128xf32, #tpu.memory_space<hbm>>
    tpu.wait_dma2 semaphore(%dma_wait3A_568 : memref<!tpu.dma_semaphore, #tpu.memory_space<semaphore_mem>>) src(%dma_wait3A_575 : memref<32x128xf32, #tpu.memory_space<hbm>>) dst(%dma_wait3A_572 : memref<32x128xf32, #tpu.memory_space<vmem>>)
    %dma_wait3A_576 = arith.constant 2 : i32
    %dma_wait3A_577 = arith.constant 2 : i32
    %dma_wait3A_578 = arith.constant 0 : i32
    %dma_wait3A_579 = arith.constant 0 : i32
    %dma_wait3A_580 = tpu.memref_slice %arg9[%dma_wait3A_576, %dma_wait3A_578, %dma_wait3A_579] : memref<6x32x128xf32, #tpu.memory_space<vmem>> -> memref<1x32x128xf32, #tpu.memory_space<vmem>>
    %dma_wait3A_581 = tpu.memref_squeeze %dma_wait3A_580 : memref<1x32x128xf32, #tpu.memory_space<vmem>> -> memref<32x128xf32, #tpu.memory_space<vmem>>
    %dma_wait3A_582 = arith.constant 0 : i32
    %dma_wait3A_583 = arith.constant 0 : i32
    %dma_wait3A_584 = tpu.memref_slice %arg3[%dma_wait3A_582, %dma_wait3A_583] : memref<32x1000000xf32, #tpu.memory_space<hbm>> -> memref<32x128xf32, #tpu.memory_space<hbm>>
    %dma_wait3A_585 = tpu.memref_slice %arg13[%dma_wait3A_577] : memref<6x!tpu.dma_semaphore, #tpu.memory_space<semaphore_mem>> -> memref<1x!tpu.dma_semaphore, #tpu.memory_space<semaphore_mem>>
    %dma_wait3A_586 = tpu.memref_squeeze %dma_wait3A_585 : memref<1x!tpu.dma_semaphore, #tpu.memory_space<semaphore_mem>> -> memref<!tpu.dma_semaphore, #tpu.memory_space<semaphore_mem>>
    %dma_wait3A_587 = arith.constant 0 : i32
    %dma_wait3A_588 = arith.constant 0 : i32
    %dma_wait3A_589 = tpu.memref_slice %arg9[%dma_wait3A_576, %dma_wait3A_587, %dma_wait3A_588] : memref<6x32x128xf32, #tpu.memory_space<vmem>> -> memref<1x32x128xf32, #tpu.memory_space<vmem>>
    %dma_wait3A_590 = tpu.memref_squeeze %dma_wait3A_589 : memref<1x32x128xf32, #tpu.memory_space<vmem>> -> memref<32x128xf32, #tpu.memory_space<vmem>>
    %dma_wait3A_591 = arith.constant 0 : i32
    %dma_wait3A_592 = arith.constant 0 : i32
    %dma_wait3A_593 = tpu.memref_slice %arg3[%dma_wait3A_591, %dma_wait3A_592] : memref<32x1000000xf32, #tpu.memory_space<hbm>> -> memref<32x128xf32, #tpu.memory_space<hbm>>
    tpu.wait_dma2 semaphore(%dma_wait3A_586 : memref<!tpu.dma_semaphore, #tpu.memory_space<semaphore_mem>>) src(%dma_wait3A_593 : memref<32x128xf32, #tpu.memory_space<hbm>>) dst(%dma_wait3A_590 : memref<32x128xf32, #tpu.memory_space<vmem>>)
    %dma_wait3A_594 = arith.constant 2 : i32
    %dma_wait3A_595 = arith.constant 2 : i32
    %dma_wait3A_596 = arith.constant 0 : i32
    %dma_wait3A_597 = arith.constant 0 : i32
    %dma_wait3A_598 = tpu.memref_slice %arg10[%dma_wait3A_594, %dma_wait3A_596, %dma_wait3A_597] : memref<6x32x128xf32, #tpu.memory_space<vmem>> -> memref<1x32x128xf32, #tpu.memory_space<vmem>>
    %dma_wait3A_599 = tpu.memref_squeeze %dma_wait3A_598 : memref<1x32x128xf32, #tpu.memory_space<vmem>> -> memref<32x128xf32, #tpu.memory_space<vmem>>
    %dma_wait3A_600 = arith.constant 0 : i32
    %dma_wait3A_601 = arith.constant 0 : i32
    %dma_wait3A_602 = tpu.memref_slice %arg4[%dma_wait3A_600, %dma_wait3A_601] : memref<32x1000000xf32, #tpu.memory_space<hbm>> -> memref<32x128xf32, #tpu.memory_space<hbm>>
    %dma_wait3A_603 = tpu.memref_slice %arg14[%dma_wait3A_595] : memref<6x!tpu.dma_semaphore, #tpu.memory_space<semaphore_mem>> -> memref<1x!tpu.dma_semaphore, #tpu.memory_space<semaphore_mem>>
    %dma_wait3A_604 = tpu.memref_squeeze %dma_wait3A_603 : memref<1x!tpu.dma_semaphore, #tpu.memory_space<semaphore_mem>> -> memref<!tpu.dma_semaphore, #tpu.memory_space<semaphore_mem>>
    %dma_wait3A_605 = arith.constant 0 : i32
    %dma_wait3A_606 = arith.constant 0 : i32
    %dma_wait3A_607 = tpu.memref_slice %arg10[%dma_wait3A_594, %dma_wait3A_605, %dma_wait3A_606] : memref<6x32x128xf32, #tpu.memory_space<vmem>> -> memref<1x32x128xf32, #tpu.memory_space<vmem>>
    %dma_wait3A_608 = tpu.memref_squeeze %dma_wait3A_607 : memref<1x32x128xf32, #tpu.memory_space<vmem>> -> memref<32x128xf32, #tpu.memory_space<vmem>>
    %dma_wait3A_609 = arith.constant 0 : i32
    %dma_wait3A_610 = arith.constant 0 : i32
    %dma_wait3A_611 = tpu.memref_slice %arg4[%dma_wait3A_609, %dma_wait3A_610] : memref<32x1000000xf32, #tpu.memory_space<hbm>> -> memref<32x128xf32, #tpu.memory_space<hbm>>
    tpu.wait_dma2 semaphore(%dma_wait3A_604 : memref<!tpu.dma_semaphore, #tpu.memory_space<semaphore_mem>>) src(%dma_wait3A_611 : memref<32x128xf32, #tpu.memory_space<hbm>>) dst(%dma_wait3A_608 : memref<32x128xf32, #tpu.memory_space<vmem>>)
    %dma_wait3A_612 = arith.constant 3 : i32
    %dma_wait3A_613 = arith.constant 3 : i32
    %dma_wait3A_614 = arith.constant 0 : i32
    %dma_wait3A_615 = arith.constant 0 : i32
    %dma_wait3A_616 = tpu.memref_slice %arg9[%dma_wait3A_612, %dma_wait3A_614, %dma_wait3A_615] : memref<6x32x128xf32, #tpu.memory_space<vmem>> -> memref<1x32x128xf32, #tpu.memory_space<vmem>>
    %dma_wait3A_617 = tpu.memref_squeeze %dma_wait3A_616 : memref<1x32x128xf32, #tpu.memory_space<vmem>> -> memref<32x128xf32, #tpu.memory_space<vmem>>
    %dma_wait3A_618 = arith.constant 0 : i32
    %dma_wait3A_619 = arith.constant 0 : i32
    %dma_wait3A_620 = tpu.memref_slice %arg3[%dma_wait3A_618, %dma_wait3A_619] : memref<32x1000000xf32, #tpu.memory_space<hbm>> -> memref<32x128xf32, #tpu.memory_space<hbm>>
    %dma_wait3A_621 = tpu.memref_slice %arg13[%dma_wait3A_613] : memref<6x!tpu.dma_semaphore, #tpu.memory_space<semaphore_mem>> -> memref<1x!tpu.dma_semaphore, #tpu.memory_space<semaphore_mem>>
    %dma_wait3A_622 = tpu.memref_squeeze %dma_wait3A_621 : memref<1x!tpu.dma_semaphore, #tpu.memory_space<semaphore_mem>> -> memref<!tpu.dma_semaphore, #tpu.memory_space<semaphore_mem>>
    %dma_wait3A_623 = arith.constant 0 : i32
    %dma_wait3A_624 = arith.constant 0 : i32
    %dma_wait3A_625 = tpu.memref_slice %arg9[%dma_wait3A_612, %dma_wait3A_623, %dma_wait3A_624] : memref<6x32x128xf32, #tpu.memory_space<vmem>> -> memref<1x32x128xf32, #tpu.memory_space<vmem>>
    %dma_wait3A_626 = tpu.memref_squeeze %dma_wait3A_625 : memref<1x32x128xf32, #tpu.memory_space<vmem>> -> memref<32x128xf32, #tpu.memory_space<vmem>>
    %dma_wait3A_627 = arith.constant 0 : i32
    %dma_wait3A_628 = arith.constant 0 : i32
    %dma_wait3A_629 = tpu.memref_slice %arg3[%dma_wait3A_627, %dma_wait3A_628] : memref<32x1000000xf32, #tpu.memory_space<hbm>> -> memref<32x128xf32, #tpu.memory_space<hbm>>
    tpu.wait_dma2 semaphore(%dma_wait3A_622 : memref<!tpu.dma_semaphore, #tpu.memory_space<semaphore_mem>>) src(%dma_wait3A_629 : memref<32x128xf32, #tpu.memory_space<hbm>>) dst(%dma_wait3A_626 : memref<32x128xf32, #tpu.memory_space<vmem>>)
    %dma_wait3A_630 = arith.constant 3 : i32
    %dma_wait3A_631 = arith.constant 3 : i32
    %dma_wait3A_632 = arith.constant 0 : i32
    %dma_wait3A_633 = arith.constant 0 : i32
    %dma_wait3A_634 = tpu.memref_slice %arg10[%dma_wait3A_630, %dma_wait3A_632, %dma_wait3A_633] : memref<6x32x128xf32, #tpu.memory_space<vmem>> -> memref<1x32x128xf32, #tpu.memory_space<vmem>>
    %dma_wait3A_635 = tpu.memref_squeeze %dma_wait3A_634 : memref<1x32x128xf32, #tpu.memory_space<vmem>> -> memref<32x128xf32, #tpu.memory_space<vmem>>
    %dma_wait3A_636 = arith.constant 0 : i32
    %dma_wait3A_637 = arith.constant 0 : i32
    %dma_wait3A_638 = tpu.memref_slice %arg4[%dma_wait3A_636, %dma_wait3A_637] : memref<32x1000000xf32, #tpu.memory_space<hbm>> -> memref<32x128xf32, #tpu.memory_space<hbm>>
    %dma_wait3A_639 = tpu.memref_slice %arg14[%dma_wait3A_631] : memref<6x!tpu.dma_semaphore, #tpu.memory_space<semaphore_mem>> -> memref<1x!tpu.dma_semaphore, #tpu.memory_space<semaphore_mem>>
    %dma_wait3A_640 = tpu.memref_squeeze %dma_wait3A_639 : memref<1x!tpu.dma_semaphore, #tpu.memory_space<semaphore_mem>> -> memref<!tpu.dma_semaphore, #tpu.memory_space<semaphore_mem>>
    %dma_wait3A_641 = arith.constant 0 : i32
    %dma_wait3A_642 = arith.constant 0 : i32
    %dma_wait3A_643 = tpu.memref_slice %arg10[%dma_wait3A_630, %dma_wait3A_641, %dma_wait3A_642] : memref<6x32x128xf32, #tpu.memory_space<vmem>> -> memref<1x32x128xf32, #tpu.memory_space<vmem>>
    %dma_wait3A_644 = tpu.memref_squeeze %dma_wait3A_643 : memref<1x32x128xf32, #tpu.memory_space<vmem>> -> memref<32x128xf32, #tpu.memory_space<vmem>>
    %dma_wait3A_645 = arith.constant 0 : i32
    %dma_wait3A_646 = arith.constant 0 : i32
    %dma_wait3A_647 = tpu.memref_slice %arg4[%dma_wait3A_645, %dma_wait3A_646] : memref<32x1000000xf32, #tpu.memory_space<hbm>> -> memref<32x128xf32, #tpu.memory_space<hbm>>
    tpu.wait_dma2 semaphore(%dma_wait3A_640 : memref<!tpu.dma_semaphore, #tpu.memory_space<semaphore_mem>>) src(%dma_wait3A_647 : memref<32x128xf32, #tpu.memory_space<hbm>>) dst(%dma_wait3A_644 : memref<32x128xf32, #tpu.memory_space<vmem>>)
    %dma_wait3A_648 = arith.constant 4 : i32
    %dma_wait3A_649 = arith.constant 4 : i32
    %dma_wait3A_650 = arith.constant 0 : i32
    %dma_wait3A_651 = arith.constant 0 : i32
    %dma_wait3A_652 = tpu.memref_slice %arg9[%dma_wait3A_648, %dma_wait3A_650, %dma_wait3A_651] : memref<6x32x128xf32, #tpu.memory_space<vmem>> -> memref<1x32x128xf32, #tpu.memory_space<vmem>>
    %dma_wait3A_653 = tpu.memref_squeeze %dma_wait3A_652 : memref<1x32x128xf32, #tpu.memory_space<vmem>> -> memref<32x128xf32, #tpu.memory_space<vmem>>
    %dma_wait3A_654 = arith.constant 0 : i32
    %dma_wait3A_655 = arith.constant 0 : i32
    %dma_wait3A_656 = tpu.memref_slice %arg3[%dma_wait3A_654, %dma_wait3A_655] : memref<32x1000000xf32, #tpu.memory_space<hbm>> -> memref<32x128xf32, #tpu.memory_space<hbm>>
    %dma_wait3A_657 = tpu.memref_slice %arg13[%dma_wait3A_649] : memref<6x!tpu.dma_semaphore, #tpu.memory_space<semaphore_mem>> -> memref<1x!tpu.dma_semaphore, #tpu.memory_space<semaphore_mem>>
    %dma_wait3A_658 = tpu.memref_squeeze %dma_wait3A_657 : memref<1x!tpu.dma_semaphore, #tpu.memory_space<semaphore_mem>> -> memref<!tpu.dma_semaphore, #tpu.memory_space<semaphore_mem>>
    %dma_wait3A_659 = arith.constant 0 : i32
    %dma_wait3A_660 = arith.constant 0 : i32
    %dma_wait3A_661 = tpu.memref_slice %arg9[%dma_wait3A_648, %dma_wait3A_659, %dma_wait3A_660] : memref<6x32x128xf32, #tpu.memory_space<vmem>> -> memref<1x32x128xf32, #tpu.memory_space<vmem>>
    %dma_wait3A_662 = tpu.memref_squeeze %dma_wait3A_661 : memref<1x32x128xf32, #tpu.memory_space<vmem>> -> memref<32x128xf32, #tpu.memory_space<vmem>>
    %dma_wait3A_663 = arith.constant 0 : i32
    %dma_wait3A_664 = arith.constant 0 : i32
    %dma_wait3A_665 = tpu.memref_slice %arg3[%dma_wait3A_663, %dma_wait3A_664] : memref<32x1000000xf32, #tpu.memory_space<hbm>> -> memref<32x128xf32, #tpu.memory_space<hbm>>
    tpu.wait_dma2 semaphore(%dma_wait3A_658 : memref<!tpu.dma_semaphore, #tpu.memory_space<semaphore_mem>>) src(%dma_wait3A_665 : memref<32x128xf32, #tpu.memory_space<hbm>>) dst(%dma_wait3A_662 : memref<32x128xf32, #tpu.memory_space<vmem>>)
    %dma_wait3A_666 = arith.constant 4 : i32
    %dma_wait3A_667 = arith.constant 4 : i32
    %dma_wait3A_668 = arith.constant 0 : i32
    %dma_wait3A_669 = arith.constant 0 : i32
    %dma_wait3A_670 = tpu.memref_slice %arg10[%dma_wait3A_666, %dma_wait3A_668, %dma_wait3A_669] : memref<6x32x128xf32, #tpu.memory_space<vmem>> -> memref<1x32x128xf32, #tpu.memory_space<vmem>>
    %dma_wait3A_671 = tpu.memref_squeeze %dma_wait3A_670 : memref<1x32x128xf32, #tpu.memory_space<vmem>> -> memref<32x128xf32, #tpu.memory_space<vmem>>
    %dma_wait3A_672 = arith.constant 0 : i32
    %dma_wait3A_673 = arith.constant 0 : i32
    %dma_wait3A_674 = tpu.memref_slice %arg4[%dma_wait3A_672, %dma_wait3A_673] : memref<32x1000000xf32, #tpu.memory_space<hbm>> -> memref<32x128xf32, #tpu.memory_space<hbm>>
    %dma_wait3A_675 = tpu.memref_slice %arg14[%dma_wait3A_667] : memref<6x!tpu.dma_semaphore, #tpu.memory_space<semaphore_mem>> -> memref<1x!tpu.dma_semaphore, #tpu.memory_space<semaphore_mem>>
    %dma_wait3A_676 = tpu.memref_squeeze %dma_wait3A_675 : memref<1x!tpu.dma_semaphore, #tpu.memory_space<semaphore_mem>> -> memref<!tpu.dma_semaphore, #tpu.memory_space<semaphore_mem>>
    %dma_wait3A_677 = arith.constant 0 : i32
    %dma_wait3A_678 = arith.constant 0 : i32
    %dma_wait3A_679 = tpu.memref_slice %arg10[%dma_wait3A_666, %dma_wait3A_677, %dma_wait3A_678] : memref<6x32x128xf32, #tpu.memory_space<vmem>> -> memref<1x32x128xf32, #tpu.memory_space<vmem>>
    %dma_wait3A_680 = tpu.memref_squeeze %dma_wait3A_679 : memref<1x32x128xf32, #tpu.memory_space<vmem>> -> memref<32x128xf32, #tpu.memory_space<vmem>>
    %dma_wait3A_681 = arith.constant 0 : i32
    %dma_wait3A_682 = arith.constant 0 : i32
    %dma_wait3A_683 = tpu.memref_slice %arg4[%dma_wait3A_681, %dma_wait3A_682] : memref<32x1000000xf32, #tpu.memory_space<hbm>> -> memref<32x128xf32, #tpu.memory_space<hbm>>
    tpu.wait_dma2 semaphore(%dma_wait3A_676 : memref<!tpu.dma_semaphore, #tpu.memory_space<semaphore_mem>>) src(%dma_wait3A_683 : memref<32x128xf32, #tpu.memory_space<hbm>>) dst(%dma_wait3A_680 : memref<32x128xf32, #tpu.memory_space<vmem>>)
    %dma_wait3A_684 = arith.constant 5 : i32
    %dma_wait3A_685 = arith.constant 5 : i32
    %dma_wait3A_686 = arith.constant 0 : i32
    %dma_wait3A_687 = arith.constant 0 : i32
    %dma_wait3A_688 = tpu.memref_slice %arg9[%dma_wait3A_684, %dma_wait3A_686, %dma_wait3A_687] : memref<6x32x128xf32, #tpu.memory_space<vmem>> -> memref<1x32x128xf32, #tpu.memory_space<vmem>>
    %dma_wait3A_689 = tpu.memref_squeeze %dma_wait3A_688 : memref<1x32x128xf32, #tpu.memory_space<vmem>> -> memref<32x128xf32, #tpu.memory_space<vmem>>
    %dma_wait3A_690 = arith.constant 0 : i32
    %dma_wait3A_691 = arith.constant 0 : i32
    %dma_wait3A_692 = tpu.memref_slice %arg3[%dma_wait3A_690, %dma_wait3A_691] : memref<32x1000000xf32, #tpu.memory_space<hbm>> -> memref<32x128xf32, #tpu.memory_space<hbm>>
    %dma_wait3A_693 = tpu.memref_slice %arg13[%dma_wait3A_685] : memref<6x!tpu.dma_semaphore, #tpu.memory_space<semaphore_mem>> -> memref<1x!tpu.dma_semaphore, #tpu.memory_space<semaphore_mem>>
    %dma_wait3A_694 = tpu.memref_squeeze %dma_wait3A_693 : memref<1x!tpu.dma_semaphore, #tpu.memory_space<semaphore_mem>> -> memref<!tpu.dma_semaphore, #tpu.memory_space<semaphore_mem>>
    %dma_wait3A_695 = arith.constant 0 : i32
    %dma_wait3A_696 = arith.constant 0 : i32
    %dma_wait3A_697 = tpu.memref_slice %arg9[%dma_wait3A_684, %dma_wait3A_695, %dma_wait3A_696] : memref<6x32x128xf32, #tpu.memory_space<vmem>> -> memref<1x32x128xf32, #tpu.memory_space<vmem>>
    %dma_wait3A_698 = tpu.memref_squeeze %dma_wait3A_697 : memref<1x32x128xf32, #tpu.memory_space<vmem>> -> memref<32x128xf32, #tpu.memory_space<vmem>>
    %dma_wait3A_699 = arith.constant 0 : i32
    %dma_wait3A_700 = arith.constant 0 : i32
    %dma_wait3A_701 = tpu.memref_slice %arg3[%dma_wait3A_699, %dma_wait3A_700] : memref<32x1000000xf32, #tpu.memory_space<hbm>> -> memref<32x128xf32, #tpu.memory_space<hbm>>
    tpu.wait_dma2 semaphore(%dma_wait3A_694 : memref<!tpu.dma_semaphore, #tpu.memory_space<semaphore_mem>>) src(%dma_wait3A_701 : memref<32x128xf32, #tpu.memory_space<hbm>>) dst(%dma_wait3A_698 : memref<32x128xf32, #tpu.memory_space<vmem>>)
    %dma_wait3A_702 = arith.constant 5 : i32
    %dma_wait3A_703 = arith.constant 5 : i32
    %dma_wait3A_704 = arith.constant 0 : i32
    %dma_wait3A_705 = arith.constant 0 : i32
    %dma_wait3A_706 = tpu.memref_slice %arg10[%dma_wait3A_702, %dma_wait3A_704, %dma_wait3A_705] : memref<6x32x128xf32, #tpu.memory_space<vmem>> -> memref<1x32x128xf32, #tpu.memory_space<vmem>>
    %dma_wait3A_707 = tpu.memref_squeeze %dma_wait3A_706 : memref<1x32x128xf32, #tpu.memory_space<vmem>> -> memref<32x128xf32, #tpu.memory_space<vmem>>
    %dma_wait3A_708 = arith.constant 0 : i32
    %dma_wait3A_709 = arith.constant 0 : i32
    %dma_wait3A_710 = tpu.memref_slice %arg4[%dma_wait3A_708, %dma_wait3A_709] : memref<32x1000000xf32, #tpu.memory_space<hbm>> -> memref<32x128xf32, #tpu.memory_space<hbm>>
    %dma_wait3A_711 = tpu.memref_slice %arg14[%dma_wait3A_703] : memref<6x!tpu.dma_semaphore, #tpu.memory_space<semaphore_mem>> -> memref<1x!tpu.dma_semaphore, #tpu.memory_space<semaphore_mem>>
    %dma_wait3A_712 = tpu.memref_squeeze %dma_wait3A_711 : memref<1x!tpu.dma_semaphore, #tpu.memory_space<semaphore_mem>> -> memref<!tpu.dma_semaphore, #tpu.memory_space<semaphore_mem>>
    %dma_wait3A_713 = arith.constant 0 : i32
    %dma_wait3A_714 = arith.constant 0 : i32
    %dma_wait3A_715 = tpu.memref_slice %arg10[%dma_wait3A_702, %dma_wait3A_713, %dma_wait3A_714] : memref<6x32x128xf32, #tpu.memory_space<vmem>> -> memref<1x32x128xf32, #tpu.memory_space<vmem>>
    %dma_wait3A_716 = tpu.memref_squeeze %dma_wait3A_715 : memref<1x32x128xf32, #tpu.memory_space<vmem>> -> memref<32x128xf32, #tpu.memory_space<vmem>>
    %dma_wait3A_717 = arith.constant 0 : i32
    %dma_wait3A_718 = arith.constant 0 : i32
    %dma_wait3A_719 = tpu.memref_slice %arg4[%dma_wait3A_717, %dma_wait3A_718] : memref<32x1000000xf32, #tpu.memory_space<hbm>> -> memref<32x128xf32, #tpu.memory_space<hbm>>
    tpu.wait_dma2 semaphore(%dma_wait3A_712 : memref<!tpu.dma_semaphore, #tpu.memory_space<semaphore_mem>>) src(%dma_wait3A_719 : memref<32x128xf32, #tpu.memory_space<hbm>>) dst(%dma_wait3A_716 : memref<32x128xf32, #tpu.memory_space<vmem>>)
    %scan3A_720 = arith.constant 0 : i32
    %scan3A_721 = arith.constant 32 : i32
    %scan3A_722 = arith.addi %scan3A_720, %scan3A_721 : i32
    %scan3A_723 = arith.constant 1 : i32
    scf.for %scan3A_725 = %scan3A_720 to %scan3A_722 step %scan3A_723  : i32 {
      %mul3A_726 = arith.constant 16 : i32
      %mul3A_727 = arith.muli %scan3A_725, %mul3A_726 : i32
      %add3A_728 = vector.broadcast %mul3A_727 : i32 to vector<16xi32>
      %add3A_729 = arith.addi %iota3A, %add3A_728 : vector<16xi32>
      %broadcast_in_dim3A_730 = arith.constant 0 : i32
      %broadcast_in_dim3A_731 = vector.broadcast %broadcast_in_dim3A_730 : i32 to vector<16xi32>
      %gather3A = tpu.vector_load_idx %arg11[%add3A_729, %broadcast_in_dim3A_731] : memref<512x16xf32, #tpu.memory_space<vmem>>[vector<16xi32>, vector<16xi32>], vector<16xf32>,
      %broadcast_in_dim3A_732 = arith.constant 1 : i32
      %broadcast_in_dim3A_733 = vector.broadcast %broadcast_in_dim3A_732 : i32 to vector<16xi32>
      %gather3A_734 = tpu.vector_load_idx %arg11[%add3A_729, %broadcast_in_dim3A_733] : memref<512x16xf32, #tpu.memory_space<vmem>>[vector<16xi32>, vector<16xi32>], vector<16xf32>,
      %add3A_735 = arith.addf %gather3A, %gather3A_734 : vector<16xf32>
      %broadcast_in_dim3A_736 = arith.constant 2 : i32
      %broadcast_in_dim3A_737 = vector.broadcast %broadcast_in_dim3A_736 : i32 to vector<16xi32>
      %gather3A_738 = tpu.vector_load_idx %arg11[%add3A_729, %broadcast_in_dim3A_737] : memref<512x16xf32, #tpu.memory_space<vmem>>[vector<16xi32>, vector<16xi32>], vector<16xf32>,
      %add3A_739 = arith.addf %add3A_735, %gather3A_738 : vector<16xf32>
      %broadcast_in_dim3A_740 = arith.constant 3 : i32
      %broadcast_in_dim3A_741 = vector.broadcast %broadcast_in_dim3A_740 : i32 to vector<16xi32>
      %gather3A_742 = tpu.vector_load_idx %arg11[%add3A_729, %broadcast_in_dim3A_741] : memref<512x16xf32, #tpu.memory_space<vmem>>[vector<16xi32>, vector<16xi32>], vector<16xf32>,
      %add3A_743 = arith.addf %add3A_739, %gather3A_742 : vector<16xf32>
      %broadcast_in_dim3A_744 = arith.constant 4 : i32
      %broadcast_in_dim3A_745 = vector.broadcast %broadcast_in_dim3A_744 : i32 to vector<16xi32>
      %gather3A_746 = tpu.vector_load_idx %arg11[%add3A_729, %broadcast_in_dim3A_745] : memref<512x16xf32, #tpu.memory_space<vmem>>[vector<16xi32>, vector<16xi32>], vector<16xf32>,
      %add3A_747 = arith.addf %add3A_743, %gather3A_746 : vector<16xf32>
      %broadcast_in_dim3A_748 = arith.constant 5 : i32
      %broadcast_in_dim3A_749 = vector.broadcast %broadcast_in_dim3A_748 : i32 to vector<16xi32>
      %gather3A_750 = tpu.vector_load_idx %arg11[%add3A_729, %broadcast_in_dim3A_749] : memref<512x16xf32, #tpu.memory_space<vmem>>[vector<16xi32>, vector<16xi32>], vector<16xf32>,
      %add3A_751 = arith.addf %add3A_747, %gather3A_750 : vector<16xf32>
      %broadcast_in_dim3A_752 = arith.constant 6 : i32
      %broadcast_in_dim3A_753 = vector.broadcast %broadcast_in_dim3A_752 : i32 to vector<16xi32>
      %gather3A_754 = tpu.vector_load_idx %arg11[%add3A_729, %broadcast_in_dim3A_753] : memref<512x16xf32, #tpu.memory_space<vmem>>[vector<16xi32>, vector<16xi32>], vector<16xf32>,
      %add3A_755 = arith.addf %add3A_751, %gather3A_754 : vector<16xf32>
      %broadcast_in_dim3A_756 = arith.constant 7 : i32
      %broadcast_in_dim3A_757 = vector.broadcast %broadcast_in_dim3A_756 : i32 to vector<16xi32>
      %gather3A_758 = tpu.vector_load_idx %arg11[%add3A_729, %broadcast_in_dim3A_757] : memref<512x16xf32, #tpu.memory_space<vmem>>[vector<16xi32>, vector<16xi32>], vector<16xf32>,
      %add3A_759 = arith.addf %add3A_755, %gather3A_758 : vector<16xf32>
      %broadcast_in_dim3A_760 = arith.constant 8 : i32
      %broadcast_in_dim3A_761 = vector.broadcast %broadcast_in_dim3A_760 : i32 to vector<16xi32>
      %gather3A_762 = tpu.vector_load_idx %arg11[%add3A_729, %broadcast_in_dim3A_761] : memref<512x16xf32, #tpu.memory_space<vmem>>[vector<16xi32>, vector<16xi32>], vector<16xf32>,
      %add3A_763 = arith.addf %add3A_759, %gather3A_762 : vector<16xf32>
      %broadcast_in_dim3A_764 = arith.constant 9 : i32
      %broadcast_in_dim3A_765 = vector.broadcast %broadcast_in_dim3A_764 : i32 to vector<16xi32>
      %gather3A_766 = tpu.vector_load_idx %arg11[%add3A_729, %broadcast_in_dim3A_765] : memref<512x16xf32, #tpu.memory_space<vmem>>[vector<16xi32>, vector<16xi32>], vector<16xf32>,
      %add3A_767 = arith.addf %add3A_763, %gather3A_766 : vector<16xf32>
      %broadcast_in_dim3A_768 = arith.constant 10 : i32
      %broadcast_in_dim3A_769 = vector.broadcast %broadcast_in_dim3A_768 : i32 to vector<16xi32>
      %gather3A_770 = tpu.vector_load_idx %arg11[%add3A_729, %broadcast_in_dim3A_769] : memref<512x16xf32, #tpu.memory_space<vmem>>[vector<16xi32>, vector<16xi32>], vector<16xf32>,
      %add3A_771 = arith.addf %add3A_767, %gather3A_770 : vector<16xf32>
      %broadcast_in_dim3A_772 = arith.constant 11 : i32
      %broadcast_in_dim3A_773 = vector.broadcast %broadcast_in_dim3A_772 : i32 to vector<16xi32>
      %gather3A_774 = tpu.vector_load_idx %arg11[%add3A_729, %broadcast_in_dim3A_773] : memref<512x16xf32, #tpu.memory_space<vmem>>[vector<16xi32>, vector<16xi32>], vector<16xf32>,
      %add3A_775 = arith.addf %add3A_771, %gather3A_774 : vector<16xf32>
      %broadcast_in_dim3A_776 = arith.constant 12 : i32
      %broadcast_in_dim3A_777 = vector.broadcast %broadcast_in_dim3A_776 : i32 to vector<16xi32>
      %gather3A_778 = tpu.vector_load_idx %arg11[%add3A_729, %broadcast_in_dim3A_777] : memref<512x16xf32, #tpu.memory_space<vmem>>[vector<16xi32>, vector<16xi32>], vector<16xf32>,
      %add3A_779 = arith.addf %add3A_775, %gather3A_778 : vector<16xf32>
      %broadcast_in_dim3A_780 = arith.constant 13 : i32
      %broadcast_in_dim3A_781 = vector.broadcast %broadcast_in_dim3A_780 : i32 to vector<16xi32>
      %gather3A_782 = tpu.vector_load_idx %arg11[%add3A_729, %broadcast_in_dim3A_781] : memref<512x16xf32, #tpu.memory_space<vmem>>[vector<16xi32>, vector<16xi32>], vector<16xf32>,
      %add3A_783 = arith.addf %add3A_779, %gather3A_782 : vector<16xf32>
      %broadcast_in_dim3A_784 = arith.constant 14 : i32
      %broadcast_in_dim3A_785 = vector.broadcast %broadcast_in_dim3A_784 : i32 to vector<16xi32>
      %gather3A_786 = tpu.vector_load_idx %arg11[%add3A_729, %broadcast_in_dim3A_785] : memref<512x16xf32, #tpu.memory_space<vmem>>[vector<16xi32>, vector<16xi32>], vector<16xf32>,
      %add3A_787 = arith.addf %add3A_783, %gather3A_786 : vector<16xf32>
      %broadcast_in_dim3A_788 = arith.constant 15 : i32
      %broadcast_in_dim3A_789 = vector.broadcast %broadcast_in_dim3A_788 : i32 to vector<16xi32>
      %gather3A_790 = tpu.vector_load_idx %arg11[%add3A_729, %broadcast_in_dim3A_789] : memref<512x16xf32, #tpu.memory_space<vmem>>[vector<16xi32>, vector<16xi32>], vector<16xf32>,
      %add3A_791 = arith.addf %add3A_787, %gather3A_790 : vector<16xf32>
      %neg3A = arith.constant 0.000000e+00 : f32
      %neg3A_792 = vector.broadcast %neg3A : f32 to vector<16xf32>
      %neg3A_793 = arith.subf %neg3A_792, %add3A_791 : vector<16xf32>
      %exp3A = math.exp %neg3A_793 : vector<16xf32>
      %add3A_794 = arith.constant 1.000000e+00 : f32
      %add3A_795 = vector.broadcast %add3A_794 : f32 to vector<16xf32>
      %add3A_796 = arith.addf %add3A_795, %exp3A : vector<16xf32>
      %div3A = arith.constant 1.000000e+00 : f32
      %div3A_797 = vector.broadcast %div3A : f32 to vector<16xf32>
      %div3A_798 = arith.divf %div3A_797, %add3A_796 : vector<16xf32>
      %mul3A_799 = arith.constant 16 : i32
      %mul3A_800 = arith.muli %scan3A_725, %mul3A_799 : i32
      %swap3A = arith.index_cast %mul3A_800 : i32 to index
      %swap3A_801 = tpu.vector_load %arg12[%swap3A] {strides = array<i32>} : memref<512xf32, #tpu.memory_space<vmem>>, vector<16xf32>,
      tpu.vector_store %arg12[%swap3A], %div3A_798 {strides = array<i32>} : memref<512xf32, #tpu.memory_space<vmem>>, vector<16xf32>,
    }
    %scan3A_724 = arith.constant 32 : i32
    "tpu.region"() ({
      %run_scoped3A = tpu.sem_alloc : memref<!tpu.dma_semaphore, #tpu.memory_space<semaphore_mem>>
      %dma_start3A_725 = tpu.memref_slice %arg5[%mul3A_2] : memref<16384xf32, #tpu.memory_space<hbm>> -> memref<512xf32, #tpu.memory_space<hbm>>
      %dma_start3A_726 = tpu.memref_slice %arg5[%mul3A_2] : memref<16384xf32, #tpu.memory_space<hbm>> -> memref<512xf32, #tpu.memory_space<hbm>>
      tpu.enqueue_dma source(%arg12 : memref<512xf32, #tpu.memory_space<vmem>>) target(%dma_start3A_726 : memref<512xf32, #tpu.memory_space<hbm>>) target_semaphore(%run_scoped3A : memref<!tpu.dma_semaphore, #tpu.memory_space<semaphore_mem>>)
      %dma_wait3A_727 = tpu.memref_slice %arg5[%mul3A_2] : memref<16384xf32, #tpu.memory_space<hbm>> -> memref<512xf32, #tpu.memory_space<hbm>>
      %dma_wait3A_728 = tpu.memref_slice %arg5[%mul3A_2] : memref<16384xf32, #tpu.memory_space<hbm>> -> memref<512xf32, #tpu.memory_space<hbm>>
      tpu.wait_dma2 semaphore(%run_scoped3A : memref<!tpu.dma_semaphore, #tpu.memory_space<semaphore_mem>>) src(%arg12 : memref<512xf32, #tpu.memory_space<vmem>>) dst(%dma_wait3A_728 : memref<512xf32, #tpu.memory_space<hbm>>)
      tpu.yield
    }) : () -> ()
    return
  }
}

</mosaic_0001>

<sc_bundles>
// kernel: kernel.3.cloned.1.call-start
scs
__scs_entry_jumppad:
0x0: {  	(pc) =	sbr.rel $0x88, $3  }
0x1: {  	(tag) =	ssettag $0x0;
	lr =	simm.s32 $0x1  }
0x2: {  	[smem:$0x3F9E] =	sst lr;
	_ =	strace $0xD0000000  }
0x3: {  	_ = 	snop  }
0x4: {  	_ = 	snop  }
0x5: {  	_ = 	snop  }
0x6: {  	_ = 	snop  }
0x7: {  	_ = 	snop  }
__scs_overlays_trampoline_lowered:
0x8: {  	[smem:$0x3FAD] =	sst s0  }
0x9: {  	[smem:$0x3FAE] =	sst s1  }
0xa: {  	[smem:$0x3FAF] =	sst s2  }
0xb: {  	[smem:$0x3FB0] =	sst s3  }
0xc: {  	[smem:$0x3FB1] =	sst s4  }
0xd: {  	[smem:$0x3FB2] =	sst s5  }
0xe: {  	[smem:$0x3FB3] =	sst s6  }
0xf: {  	[smem:$0x3FB4] =	sst s7  }
0x10: {  	[smem:$0x3FB5] =	sst s8  }
0x11: {  	[smem:$0x3FB6] =	sst s9;
	s0 =	simm.s32 @!p0 $0x0  }
0x12: {  	s1 =	sld [smem:$0x3F9C];
	s0 =	simm.s32 @p0 $0x1  }
0x13: {  	[smem:$0x3FB7] =	sst s0;
	s0 =	simm.s32 @!p1 $0x0  }
0x14: {  	s2 =	sld [smem:$0x3F9B];
	s0 =	simm.s32 @p1 $0x1  }
0x15: {  	[smem:$0x3FB8] =	sst s0;
	s0 =	simm.s32 @!p2 $0x0  }
0x16: {  	s3 =	sld [smem:$0x3FDB];
	s0 =	simm.s32 @p2 $0x1  }
0x17: {  	s4 =	simm.s32 $0x1BF5;
	[smem:$0x3FBA] =	sst s0  }
0x18: {  	s0 =	sld [smem:$0x3F9D];
	_ =	swait.ge [sflag:s4], $0x0  }
0x19: {  	s7 =	sld [smem:$0x3F9E]  }
0x1a: {  	s8 =	sadd.s32 $0xFFFFE003, lr  }
0x1b: {  	s9 =	sadd.s32 $0xFFFFFEF7, lr;
	s5 =	simm.s32 $0xFFFFFFFF;
	p2 =	slt.u32 s8, $0xFFFFF086  }
0x1c: {  	p1 =	slt.u32 s9, $0xF7A;
	s5 =	simm.s32 @!p2 $0x0  }
0x1d: {  	s5 =	simm.s32 @p1 $0x1;
	p0 =	seq.s32 s7, s2  }
0x1e: {  	s7 =	smul.u32 @!p0 $0xF7A, s2;
	p2 =	seq.s32 @!p0 s5, $0x0  }
0x1f: {  	s9 =	smul.u32 $0xF7A, s1;
	s8 =	simm.s32 @!p0 $0x1BF5;
	p2 =	por !p2, p0  }
0x20: {  	[sflag:s8] =	ssyncset.s32 @!p0 $0xFFFFF086;
	s6 =	sadd.s32 @!p0 s3, s7;
	s7 =	simm.s32 @!p0 $0x108  }
0x21: {  	s3 =	sadd.s32 s3, s9;
	s6 =	sadd.s32 @!p0 $0x88, s6;
	s7 =	simm.s32 @p2 $0x1082  }
0x22: {  	[simem:s7], [sflag:s8] =	dma.local @!p0 [hbm:s6], $0xF7A  }
0x23: {  	s9 =	sor.u32 $0xD0000000, s2;
	s6 =	simm.s32 $0x108;
	_ =	swait.ge @!p0 [sflag:s8], $0x0  }
0x24: {  	s3 =	sadd.s32 $0x88, s3;
	s6 =	simm.s32 @!p1 $0x1082;
	[sflag:s4] =	ssyncset.s32 $0xFFFFF086  }
0x25: {  	[simem:s6], [sflag:s4] =	dma.local [hbm:s3], $0xF7A  }
0x26: {  	[smem:$0x3F9E] =	sst s1;
	(tag) =	ssettag s2;
	_ =	strace s9  }
0x27: {  	s1 =	sld [smem:$0x3FAE]  }
0x28: {  	s2 =	sld [smem:$0x3FAF]  }
0x29: {  	s4 =	sld [smem:$0x3FB1]  }
0x2a: {  	p0 =	seq.s32 s5, $0x0;
	s5 =	sld [smem:$0x3FB2]  }
0x2b: {  	s6 =	sld [smem:$0x3FB3]  }
0x2c: {  	s7 =	sld [smem:$0x3FB4]  }
0x2d: {  	s3 =	simm.s32 $0x108;
	s8 =	sld [smem:$0x3FB5]  }
0x2e: {  	s3 =	simm.s32 @!p0 $0x1082;
	s9 =	sld [smem:$0x3FB6]  }
0x2f: {  	lr =	sadd.s32 s0, s3;
	s0 =	sld [smem:$0x3FAD]  }
0x30: {  	s3 =	sld [smem:$0x3FB0]  }
0x31: {  	[smem:$0x3FB9] =	sst s10  }
0x32: {  	s10 =	sld [smem:$0x3FB7];
	_ =	sdelay $0x3  }
0x33: {  	p0 =	seq.s32 s10, $0x1;
	s10 =	sld [smem:$0x3FB9];
	_ =	sdelay $0x3  }
0x34: {  	[smem:$0x3FB9] =	sst s10  }
0x35: {  	s10 =	sld [smem:$0x3FB8];
	_ =	sdelay $0x3  }
0x36: {  	p1 =	seq.s32 s10, $0x1;
	s10 =	sld [smem:$0x3FB9];
	_ =	sdelay $0x3  }
0x37: {  	[smem:$0x3FB9] =	sst s10  }
0x38: {  	s10 =	sld [smem:$0x3FBA]  }
0x39: {  	_ = 	snop;
	(pc) =	sbr.ind lr, $3  }
0x3a: {  	_ = 	snop  }
0x3b: {  	_ = 	snop  }
0x3c: {  	p2 =	seq.s32 s10, $0x1;
	s10 =	sld [smem:$0x3FB9]  }
0x3d: {  	_ =	shalt  }
0x3e: {  	_ =	shalt  }
0x3f: {  	_ =	shalt  }
0x40: {  	_ =	shalt  }
0x41: {  	_ =	shalt  }
0x42: {  	_ =	shalt  }
0x43: {  	_ =	shalt  }
0x44: {  	_ =	shalt  }
0x45: {  	_ =	shalt  }
0x46: {  	_ =	shalt  }
0x47: {  	_ =	shalt  }
0x48: {  	_ =	shalt  }
0x49: {  	_ =	shalt  }
0x4a: {  	_ =	shalt  }
0x4b: {  	_ =	shalt  }
0x4c: {  	_ =	shalt  }
0x4d: {  	_ =	shalt  }
0x4e: {  	_ =	shalt  }
0x4f: {  	_ =	shalt  }
0x50: {  	_ =	shalt  }
0x51: {  	_ =	shalt  }
0x52: {  	_ =	shalt  }
0x53: {  	_ =	shalt  }
0x54: {  	_ =	shalt  }
0x55: {  	_ =	shalt  }
0x56: {  	_ =	shalt  }
0x57: {  	_ =	shalt  }
0x58: {  	_ =	shalt  }
0x59: {  	_ =	shalt  }
0x5a: {  	_ =	shalt  }
0x5b: {  	_ =	shalt  }
0x5c: {  	_ =	shalt  }
0x5d: {  	_ =	shalt  }
0x5e: {  	_ =	shalt  }
0x5f: {  	_ =	shalt  }
0x60: {  	_ =	shalt  }
0x61: {  	_ =	shalt  }
0x62: {  	_ =	shalt  }
0x63: {  	_ =	shalt  }
0x64: {  	_ =	shalt  }
0x65: {  	_ =	shalt  }
0x66: {  	_ =	shalt  }
0x67: {  	_ =	shalt  }
0x68: {  	_ =	shalt  }
0x69: {  	_ =	shalt  }
0x6a: {  	_ =	shalt  }
0x6b: {  	_ =	shalt  }
0x6c: {  	_ =	shalt  }
0x6d: {  	_ =	shalt  }
0x6e: {  	_ =	shalt  }
0x6f: {  	_ =	shalt  }
0x70: {  	_ =	shalt  }
0x71: {  	_ =	shalt  }
0x72: {  	_ =	shalt  }
0x73: {  	_ =	shalt  }
0x74: {  	_ =	shalt  }
0x75: {  	_ =	shalt  }
0x76: {  	_ =	shalt  }
0x77: {  	_ =	shalt  }
0x78: {  	_ =	shalt  }
0x79: {  	_ =	shalt  }
0x7a: {  	_ =	shalt  }
0x7b: {  	_ =	shalt  }
0x7c: {  	_ =	shalt  }
0x7d: {  	_ =	shalt  }
0x7e: {  	_ =	shalt  }
0x7f: {  	_ =	shalt  }
0x80: {  	_ =	shalt  }
0x81: {  	_ =	shalt  }
0x82: {  	_ =	shalt  }
0x83: {  	_ =	shalt  }
0x84: {  	_ =	shalt  }
0x85: {  	_ =	shalt  }
0x86: {  	_ =	shalt  }
0x87: {  	_ =	shalt  }
.Lfunc_end0:
.L_simem_size_0:
called_computation_lowered:
.L_overlay_start_0:
0x88: {  	s2 =	sld [smem:$0x3FD9]  }
0x89: {  	s3 =	sld [smem:$0x3FFE];
	_ =	sdelay $0x1  }
0x8a: {  	s1 =	srdreg.scid  }
0x8b: {  	s0 =	sand.u32 $0x1, s1  }
0x8c: {  	s17 =	sshll.u32 s0, $0xA;
	s2 =	sadd.s32 s3, s2  }
0x8d: {  	s2 =	sadd.s32 s2, s17  }
0x8e: {  	[smem:$0x3FC5] =	sst s2  }
0x8f: {  	_ = 	snop  }
0x90: {  	s2 =	sld [smem:$0x3FC8]  }
0x91: {  	s18 =	sld [smem:$0x3FC7]  }
0x92: {  	s4 =	sld [smem:$0x3FD0];
	(tm) =	ssettm $0x1  }
0x93: {  	s5 =	sld [smem:$0x3FFB];
	_ =	sdelay $0x3  }
0x94: {  	_ =	strace s5  }
0x95: {  	s5 =	sld [smem:$0x3FFC];
	_ =	sdelay $0x3  }
0x96: {  	_ =	strace s5  }
0x97: {  	s5 =	sld [smem:$0x3FFD];
	_ =	sdelay $0x3  }
0x98: {  	_ =	strace s5  }
0x99: {  	_ =	strace $0x8FFFFFFF  }
0x9a: {  	s19 =	sld [smem:$0x3FDB];
	_ =	sdelay $0x1  }
0x9b: {  	s6 =	simm.s32 $_scs_section_size  }
0x9c: {  	s7 =	simm.s32 $_size__tile_overlayer_lowered;
	s8 =	simm.s32 $_tile_overlayer_lowered  }
0x9d: {  	s22 =	simm.s32 $0x1BFF;
	s21 =	sshll.u32 s8, $0x1;
	s5 =	sadd.s32 s6, s19  }
0x9e: {  	s9 =	simm.s32 $0x0;
	s20 =	sshll.u32 s7, $0x1;
	s7 =	sadd.s32 s21, s5  }
0x9f: {  	[timem:s9], [sflag:s22] =	dma.local [hbm:s7], s20  }
0xa0: {  	_ =	swait.ge [sflag:s22], s20  }
0xa1: {  	s6 =	ssub.s32 $0x0, s20;
	[sflag:s22] =	ssyncset.done $0x0  }
0xa2: {  	[sflag:s22] =	ssyncadd.s32 s6;
	_ =	sdelay $0x1  }
0xa3: {  	s23 =	simm.s32 $0x1B8B  }
0xa4: {  	_ =	swait.ge [sflag:s23], $0x1  }
0xa5: {  	[sflag:s23] =	ssyncset.done $0x0  }
0xa6: {  	s25 =	simm.s32 $0x1B8E;
	s24 =	sld [smem:$0x3FFE];
	[sflag:s23] =	ssyncadd.s32 $0xFFFFFFFF  }
0xa7: {  	s26 =	simm.s32 $execute0_lowered;
	[smem:$0x3FD2] =	sst s25  }
0xa8: {  	s7 =	sshll.u32 s26, $0x1;
	_ =	strace $0x80000046;
	[dreg:$0x1] =	wrdreg $0xFFFFFFFF  }
0xa9: {  	s28 =	simm.s32 $_size_execute0_lowered;
	s5 =	sadd.s32 s5, s7;
	[dreg:$0x0] =	wrdreg $0x0  }
0xaa: {  	s7 =	sshll.u32 s28, $0x1;
	[dreg:$0x2] =	wrdreg s5  }
0xab: {  	[dreg:$0x3] =	wrdreg s7  }
0xac: {  	[dreg:$0x4] =	wrdreg $0xC0  }
0xad: {  	_ =	task [dreg:s9], $0x5FFFF  }
0xae: {  	[dreg:$0x1] =	wrdreg $0xFFFFFFFF  }
0xaf: {  	[dreg:$0x0] =	wrdreg $0x60  }
0xb0: {  	[dreg:$0x2] =	wrdreg s24  }
0xb1: {  	[dreg:$0x3] =	wrdreg s2  }
0xb2: {  	[dreg:$0x4] =	wrdreg s18  }
0xb3: {  	[dreg:$0x5] =	wrdreg s4  }
0xb4: {  	[dreg:$0x6] =	wrdreg $0x9  }
0xb5: {  	_ =	task.clear_ibuf [dreg:s9], $0x7FFFF;
	_ =	strace $0x90000046  }
0xb6: {  	s29 =	simm.s32 $0x9;
	_ =	strace $0x80000048  }
0xb7: {  	_ =	swait.ge [sflag:s29], $0x1  }
0xb8: {  	[sflag:s29] =	ssyncadd.s32 $0xFFFFFFFF  }
0xb9: {  	_ =	strace $0x90000048  }
0xba: {  	_ =	sfence  }
0xbb: {  	s30 =	sld [smem:$0x0];
	_ =	sdelay $0x2  }
0xbc: {  	s31 =	sshll.u32 s1, $0xD;
	s1 =	sshrl.u32 s1, $0x2  }
0xbd: {  	s3 =	sand.u32 $0x4000, s31;
	s1 =	sadd.s32 s1, s30  }
0xbe: {  	s0 =	sor.u32 s3, s0;
	s1 =	sshll.u32 s1, $0x11  }
0xbf: {  	s0 =	sor.u32 s1, s0  }
0xc0: {  	s0 =	sadd.s32 $0x8F2B, s0  }
0xc1: {  	[sflag:s0] =	ssyncadd.remote.s32 $0x1  }
0xc2: {  	_ =	sfence.sel $0xFFFF  }
0xc3: {  	[dreg:$0x0] =	wrdreg $0xFFFFFFFF;
	(pc) =	sbr.abs _section_cstart, $3  }
0xc4: {  	[dreg:$0x1] =	wrdreg $0xFFFFFFFF  }
0xc5: {  	_ =	task.clear_ibuf [dreg:s9], $0x2FFFF;
	_ =	strace $0x9FFFFFFF  }
0xc6: {  	(tm) =	ssettm $0x7FFFFFFF  }
0xc7: {  	_ =	shalt  }
tec
execute0_lowered:
.L_overlay_start_1:
0x0: {  	(tag) =	ssettag $0x1  }
0x1: {  	s0 =	rddreg [dreg:$0x0]  }
0x2: {  	s1 =	rddreg [dreg:$0x1]  }
0x3: {  	s3 =	rddreg [dreg:$0x2];
	s2 =	srdreg.scid  }
0x4: {  	s4 =	stileid.u32;
	s5 =	rddreg [dreg:$0x3]  }
0x5: {  	s9 =	simm.s32 $0x400;
	s10 =	simm.s32 $0x7A1400;
	s11 =	simm.s32 $0xB00  }
0x6: {  	s13 =	simm.s32 $0x6B00;
	s22 =	simm.s32 $0xA;
	s23 =	simm.s32 $0x5  }
0x7: {  	s24 =	simm.s32 $0xB;
	s25 =	simm.s32 $0x6;
	s26 =	simm.s32 $0xC  }
0x8: {  	s2 =	sand.u32 $0x1, s2;
	s6 =	sshll.u32 s4, $0x1;
	s4 =	simm.s32 $0x0  }
0x9: {  	s6 =	sor.u32 s2, s6;
	[smem:$0x7FF] =	sst s4;
	s2 =	ssub.s32 $0x2, s2  }
0xa: {  	s7 =	smul.u32 $0xC0, s6;
	s8 =	sshrl.u32 s2, $0x1;
	s6 =	sshll.u32 s6, $0x6  }
0xb: {  	v1 =	vlaneseq.u32;
	_ =	strace $0x80000047;
	s2 =	ssub.s32 s2, s8;
	s29 =	sadd.s32 s5, s6  }
0xc: {  	v0 =	vmul.u32 $0x3, v1;
	v1 =	vmul.u32 $0x80, v1;
	s0 =	sadd.s32 s7, s0;
	[dreg:$0x6] =	wrdreg s29;
	s31 =	smax.u32 s2, $0x1  }
0xd: {  	s28 =	simm.s32 $0xCB00;
	s0 =	sadd.s32 $0x400, s0;
	[dreg:$0x7] =	wrdreg s31  }
0xe: {  	s30 =	simm.s32 $0x0;
	v2 =	vadd.s32 $0x1, v0;
	v3 =	vor.u32 $0x800, v1;
	s8 =	simm.s32 $0xD;
	[dreg:$0x5] =	wrdreg s0  }
.LBB2_1:
0xf: {  	v4 =	vmov s4  }
0x10: {  	v4 =	vmul.u32 $0x3, v4;
	_ =	sdelay $0x1  }
0x11: {  	v4 =	vbroadcast v4, $0x0;
	_ =	sdelay $0x1  }
0x12: {  	s0 =	rddreg [dreg:$0x5];
	v5 =	vadd.s32 v0, v4  }
0x13: {  	[tilespmem:s4], [sflag:$0xD] =	stream.linear.gather [hbm4b:s0+s4], $0x600, $0x38;
	[tilespmem:$0x1CD00] =	vst v63  }
0x14: {  	_ =	swait.ge [sflag:s8], $0x600  }
0x15: {  	[sflag:s8] =	ssyncset.done $0x0  }
0x16: {  	[sflag:s8] =	ssyncadd.s32 $0xFFFFFA00  }
0x17: {  	v5 =	vld.idx.msk [tilespmem:v5+s4+$0x0], $0xffff  }
0x18: {  	s31 =	simm.s32 $0x10;
	v4 =	vadd.s32 v2, v4  }
0x19: {  	v6 =	vmov s31  }
0x1a: {  	v6 =	vmul.u32 $0x3, v6  }
0x1b: {  	s0 =	simm.s32 $0x600  }
0x1c: {  	v6 =	vbroadcast v6, $0x0;
	[tilespmem:s0+$0x0] =	vst v5  }
0x1d: {  	v4 =	vld.idx.msk [tilespmem:v4+s4+$0x0], $0xffff  }
0x1e: {  	v5 =	vadd.s32 v0, v6;
	_ =	sdelay $0x2  }
0x1f: {  	s2 =	simm.s32 $0x880  }
0x20: {  	[tilespmem:s2+$0x0] =	vst v4  }
0x21: {  	v5 =	vld.idx.msk [tilespmem:v5+s4+$0x0], $0xffff  }
0x22: {  	v4 =	vadd.s32 v2, v6  }
0x23: {  	s5 =	simm.s32 $0x20  }
0x24: {  	v6 =	vmov s5;
	s5 =	simm.s32 $0x30  }
.LBB2_2:
0x25: {  	p0 =	sne.s32 s5, $0x1F0;
	v6 =	vmul.u32 $0x3, v6;
	s0 =	sadd.s32 $0x10, s0  }
0x26: {  	[tilespmem:s0+$0x0] =	vst v5  }
0x27: {  	v6 =	vbroadcast v6, $0x0;
	v4 =	vld.idx.msk [tilespmem:v4+s4+$0x0], $0xffff;
	_ =	sdelay $0x1  }
0x28: {  	v5 =	vadd.s32 v0, v6;
	_ =	sdelay $0x2  }
0x29: {  	s2 =	sadd.s32 $0x10, s2  }
0x2a: {  	[tilespmem:s2+$0x0] =	vst v4  }
.Ltmp0:
0x2b: {  	v5 =	vld.idx.msk [tilespmem:v5+s4+$0x0], $0xffff;
	(pc) =	sbr.rel @p0 .LBB2_2-.Ltmp0, $3  }
0x2c: {  	_ = 	snop  }
0x2d: {  	v4 =	vadd.s32 v2, v6;
	_ =	sdelay $0x1  }
0x2e: {  	v6 =	vmov s5;
	s5 =	sadd.s32 $0x10, s5  }
0x2f: {  	_ = 	snop  }
0x30: {  	v6 =	vmul.u32 $0x3, v6  }
0x31: {  	s0 =	sadd.s32 $0x10, s0  }
0x32: {  	[tilespmem:s0+$0x0] =	vst v5;
	v5 =	vbroadcast v6, $0x0  }
0x33: {  	v4 =	vld.idx.msk [tilespmem:v4+s4+$0x0], $0xffff  }
0x34: {  	v6 =	vadd.s32 v0, v5;
	_ =	sdelay $0x2  }
0x35: {  	s2 =	sadd.s32 $0x10, s2  }
0x36: {  	[tilespmem:s2+$0x0] =	vst v4  }
0x37: {  	v4 =	vld.idx.msk [tilespmem:v6+s4+$0x0], $0xffff  }
0x38: {  	v5 =	vadd.s32 v2, v5;
	_ =	sdelay $0x2  }
0x39: {  	s0 =	sadd.s32 $0x10, s0  }
0x3a: {  	[tilespmem:s0+$0x0] =	vst v4  }
0x3b: {  	v4 =	vld.idx.msk [tilespmem:v5+s4+$0x0], $0xffff;
	_ =	sdelay $0x3  }
0x3c: {  	s20 =	sadd.s32 $0x10, s2  }
0x3d: {  	[tilespmem:s20+$0x0] =	vst v4  }
0x3e: {  	v4 =	vld [tilespmem:$0x880]  }
0x3f: {  	v5 =	vld [tilespmem:$0x600];
	_ =	sdelay $0x3  }
0x40: {  	(v2sf) =	vpush v4, $0x0  }
0x41: {  	(v2sf) =	vpush v5, $0x0;
	_ =	sdelay $0xd  }
0x42: {  	s21 =	spop (v2sf)  }
0x43: {  	s5 =	spop (v2sf)  }
0x44: {  	s2 =	sand.u32 $0xFFFFF80, s5  }
0x45: {  	s0 =	sand.u32 $0xFFFFF80, s21;
	s2 =	sadd.s32 s1, s2  }
0x46: {  	[tilespmem:s11], [sflag:$0x1] =	stream.strided.gather [hbm4b:s2+s9], $0x800, s10, s9, $0x38;
	[tilespmem:$0x1CD00] =	vst v63  }
0x47: {  	s5 =	simm.s32 $0x1300;
	s2 =	sadd.s32 $0x1E8500, s2  }
0x48: {  	[tilespmem:s5], [sflag:$0x7] =	stream.strided.gather [hbm4b:s2+s9], $0x800, s10, s9, $0x38;
	[tilespmem:$0x1CD00] =	vst v63  }
0x49: {  	s0 =	sadd.s32 s3, s0  }
0x4a: {  	[tilespmem:s13], [sflag:$0x1] =	stream.strided.gather [hbm4b:s0+s9], $0x800, s10, s9, $0x38;
	[tilespmem:$0x1CD00] =	vst v63  }
0x4b: {  	s6 =	simm.s32 $0x7300;
	s0 =	sadd.s32 $0x1E8500, s0  }
0x4c: {  	[tilespmem:s6], [sflag:$0x7] =	stream.strided.gather [hbm4b:s0+s9], $0x800, s10, s9, $0x38;
	[tilespmem:$0x1CD00] =	vst v63  }
0x4d: {  	v4 =	vld [tilespmem:$0x881]  }
0x4e: {  	v5 =	vld [tilespmem:$0x601];
	_ =	sdelay $0x3  }
0x4f: {  	(v2sf) =	vpush v4, $0x0  }
0x50: {  	(v2sf) =	vpush v5, $0x0;
	_ =	sdelay $0xd  }
0x51: {  	s7 =	spop (v2sf)  }
0x52: {  	s12 =	spop (v2sf)  }
0x53: {  	s2 =	sand.u32 $0xFFFFF80, s12  }
0x54: {  	s14 =	simm.s32 $0x1B00;
	s15 =	simm.s32 $0x2300;
	s2 =	sadd.s32 s1, s2  }
0x55: {  	[tilespmem:s14], [sflag:$0x2] =	stream.strided.gather [hbm4b:s2+s9], $0x800, s10, s9, $0x38;
	[tilespmem:$0x1CD00] =	vst v63  }
0x56: {  	s0 =	sand.u32 $0xFFFFF80, s7;
	s2 =	sadd.s32 $0x1E8500, s2  }
0x57: {  	[tilespmem:s15], [sflag:$0x8] =	stream.strided.gather [hbm4b:s2+s9], $0x800, s10, s9, $0x38;
	[tilespmem:$0x1CD00] =	vst v63  }
0x58: {  	s16 =	simm.s32 $0x7B00;
	s0 =	sadd.s32 s3, s0  }
0x59: {  	[tilespmem:s16], [sflag:$0x2] =	stream.strided.gather [hbm4b:s0+s9], $0x800, s10, s9, $0x38;
	[tilespmem:$0x1CD00] =	vst v63  }
0x5a: {  	s17 =	simm.s32 $0x8300;
	s0 =	sadd.s32 $0x1E8500, s0  }
0x5b: {  	[tilespmem:s17], [sflag:$0x8] =	stream.strided.gather [hbm4b:s0+s9], $0x800, s10, s9, $0x38;
	[tilespmem:$0x1CD00] =	vst v63  }
0x5c: {  	v4 =	vld [tilespmem:$0x882]  }
0x5d: {  	v5 =	vld [tilespmem:$0x602];
	_ =	sdelay $0x3  }
0x5e: {  	(v2sf) =	vpush v4, $0x0  }
0x5f: {  	(v2sf) =	vpush v5, $0x0;
	_ =	sdelay $0xd  }
0x60: {  	s18 =	spop (v2sf)  }
0x61: {  	s19 =	spop (v2sf)  }
0x62: {  	s2 =	sand.u32 $0xFFFFF80, s19  }
0x63: {  	s20 =	simm.s32 $0x2B00;
	s21 =	simm.s32 $0x3300;
	s2 =	sadd.s32 s1, s2  }
0x64: {  	[tilespmem:s20], [sflag:$0x3] =	stream.strided.gather [hbm4b:s2+s9], $0x800, s10, s9, $0x38;
	[tilespmem:$0x1CD00] =	vst v63  }
0x65: {  	s0 =	sand.u32 $0xFFFFF80, s18;
	s2 =	sadd.s32 $0x1E8500, s2  }
0x66: {  	[tilespmem:s21], [sflag:$0x9] =	stream.strided.gather [hbm4b:s2+s9], $0x800, s10, s9, $0x38;
	[tilespmem:$0x1CD00] =	vst v63  }
0x67: {  	s5 =	simm.s32 $0x8B00;
	s0 =	sadd.s32 s3, s0  }
0x68: {  	[tilespmem:s5], [sflag:$0x3] =	stream.strided.gather [hbm4b:s0+s9], $0x800, s10, s9, $0x38;
	[tilespmem:$0x1CD00] =	vst v63  }
0x69: {  	s6 =	simm.s32 $0x9300;
	s0 =	sadd.s32 $0x1E8500, s0  }
0x6a: {  	[tilespmem:s6], [sflag:$0x9] =	stream.strided.gather [hbm4b:s0+s9], $0x800, s10, s9, $0x38;
	[tilespmem:$0x1CD00] =	vst v63  }
0x6b: {  	v4 =	vld [tilespmem:$0x883]  }
0x6c: {  	v5 =	vld [tilespmem:$0x603];
	_ =	sdelay $0x3  }
0x6d: {  	(v2sf) =	vpush v4, $0x0  }
0x6e: {  	(v2sf) =	vpush v5, $0x0;
	_ =	sdelay $0xd  }
0x6f: {  	s7 =	spop (v2sf)  }
0x70: {  	s12 =	spop (v2sf)  }
0x71: {  	s2 =	sand.u32 $0xFFFFF80, s12  }
0x72: {  	s14 =	simm.s32 $0x3B00;
	s15 =	simm.s32 $0x4300;
	s2 =	sadd.s32 s1, s2  }
0x73: {  	[tilespmem:s14], [sflag:$0x4] =	stream.strided.gather [hbm4b:s2+s9], $0x800, s10, s9, $0x38;
	[tilespmem:$0x1CD00] =	vst v63  }
0x74: {  	s0 =	sand.u32 $0xFFFFF80, s7;
	s2 =	sadd.s32 $0x1E8500, s2  }
0x75: {  	[tilespmem:s15], [sflag:$0xA] =	stream.strided.gather [hbm4b:s2+s9], $0x800, s10, s9, $0x38;
	[tilespmem:$0x1CD00] =	vst v63  }
0x76: {  	s16 =	simm.s32 $0x9B00;
	s0 =	sadd.s32 s3, s0  }
0x77: {  	[tilespmem:s16], [sflag:$0x4] =	stream.strided.gather [hbm4b:s0+s9], $0x800, s10, s9, $0x38;
	[tilespmem:$0x1CD00] =	vst v63  }
0x78: {  	s17 =	simm.s32 $0xA300;
	s0 =	sadd.s32 $0x1E8500, s0  }
0x79: {  	[tilespmem:s17], [sflag:$0xA] =	stream.strided.gather [hbm4b:s0+s9], $0x800, s10, s9, $0x38;
	[tilespmem:$0x1CD00] =	vst v63  }
0x7a: {  	v4 =	vld [tilespmem:$0x884]  }
0x7b: {  	v5 =	vld [tilespmem:$0x604];
	_ =	sdelay $0x3  }
0x7c: {  	(v2sf) =	vpush v4, $0x0  }
0x7d: {  	(v2sf) =	vpush v5, $0x0;
	_ =	sdelay $0xd  }
0x7e: {  	s18 =	spop (v2sf)  }
0x7f: {  	s19 =	spop (v2sf)  }
0x80: {  	s2 =	sand.u32 $0xFFFFF80, s19  }
0x81: {  	s20 =	simm.s32 $0x4B00;
	s21 =	simm.s32 $0x5300;
	s2 =	sadd.s32 s1, s2  }
0x82: {  	[tilespmem:s20], [sflag:$0x5] =	stream.strided.gather [hbm4b:s2+s9], $0x800, s10, s9, $0x38;
	[tilespmem:$0x1CD00] =	vst v63  }
0x83: {  	s0 =	sand.u32 $0xFFFFF80, s18;
	s2 =	sadd.s32 $0x1E8500, s2  }
0x84: {  	[tilespmem:s21], [sflag:$0xB] =	stream.strided.gather [hbm4b:s2+s9], $0x800, s10, s9, $0x38;
	[tilespmem:$0x1CD00] =	vst v63  }
0x85: {  	s6 =	simm.s32 $0xAB00;
	s0 =	sadd.s32 s3, s0  }
0x86: {  	[tilespmem:s6], [sflag:$0x5] =	stream.strided.gather [hbm4b:s0+s9], $0x800, s10, s9, $0x38;
	[tilespmem:$0x1CD00] =	vst v63  }
0x87: {  	s7 =	simm.s32 $0xB300;
	s0 =	sadd.s32 $0x1E8500, s0  }
0x88: {  	[tilespmem:s7], [sflag:$0xB] =	stream.strided.gather [hbm4b:s0+s9], $0x800, s10, s9, $0x38;
	[tilespmem:$0x1CD00] =	vst v63  }
0x89: {  	v4 =	vld [tilespmem:$0x885]  }
0x8a: {  	v5 =	vld [tilespmem:$0x605];
	_ =	sdelay $0x3  }
0x8b: {  	(v2sf) =	vpush v4, $0x0  }
0x8c: {  	(v2sf) =	vpush v5, $0x0;
	_ =	sdelay $0xd  }
0x8d: {  	s12 =	spop (v2sf)  }
0x8e: {  	s14 =	spop (v2sf)  }
0x8f: {  	s2 =	sand.u32 $0xFFFFF80, s14  }
0x90: {  	s5 =	simm.s32 $0x0;
	s15 =	simm.s32 $0x5B00;
	s2 =	sadd.s32 s1, s2  }
0x91: {  	[tilespmem:s15], [sflag:$0x6] =	stream.strided.gather [hbm4b:s2+s9], $0x800, s10, s9, $0x38;
	[tilespmem:$0x1CD00] =	vst v63  }
0x92: {  	s16 =	simm.s32 $0x6300;
	s17 =	smul.u32 $0xAAAB, s5;
	s2 =	sadd.s32 $0x1E8500, s2  }
0x93: {  	[tilespmem:s16], [sflag:$0xC] =	stream.strided.gather [hbm4b:s2+s9], $0x800, s10, s9, $0x38;
	[tilespmem:$0x1CD00] =	vst v63  }
0x94: {  	s0 =	sand.u32 $0xFFFFF80, s12;
	s2 =	sshrl.u32 s17, $0x12  }
0x95: {  	s6 =	simm.s32 $0xBB00;
	s0 =	sadd.s32 s3, s0;
	s2 =	smul.u32 $0x6, s2  }
0x96: {  	[tilespmem:s6], [sflag:$0x6] =	stream.strided.gather [hbm4b:s0+s9], $0x800, s10, s9, $0x38;
	[tilespmem:$0x1CD00] =	vst v63  }
0x97: {  	s18 =	simm.s32 $0xC300;
	s0 =	sadd.s32 $0x1E8500, s0;
	s19 =	ssub.s32 $0x0, s2  }
0x98: {  	[tilespmem:s18], [sflag:$0xC] =	stream.strided.gather [hbm4b:s0+s9], $0x800, s10, s9, $0x38;
	[tilespmem:$0x1CD00] =	vst v63  }
0x99: {  	s20 =	sand.u32 $0xFFFF, s19  }
0x9a: {  	s0 =	sadd.s32 $0x1, s20  }
0x9b: {  	_ =	swait.ge [sflag:s0], $0x1000  }
0x9c: {  	[sflag:s0] =	ssyncset.done $0x0  }
0x9d: {  	s29 =	sadd.s32 $0x7, s20;
	[sflag:s0] =	ssyncadd.s32 $0xFFFFF000  }
0x9e: {  	_ =	swait.ge [sflag:s29], $0x1000  }
0x9f: {  	[sflag:s29] =	ssyncset.done $0x0  }
0xa0: {  	s21 =	simm.s32 $0x880;
	[sflag:s29] =	ssyncadd.s32 $0xFFFFF000  }
0xa1: {  	s7 =	simm.s32 $0x600;
	v4 =	vld [tilespmem:s21+$0x0]  }
0xa2: {  	v5 =	vld [tilespmem:s7+$0x0];
	_ =	sdelay $0x3  }
0xa3: {  	(v2sf) =	vpush v4, $0x0  }
0xa4: {  	(v2sf) =	vpush v5, $0x0;
	_ =	sdelay $0x9  }
0xa5: {  	s31 =	simm.s32 $0xCB00  }
0xa6: {  	s12 =	simm.s32 $0x881;
	s14 =	simm.s32 $0x601;
	s15 =	simm.s32 $0x2  }
0xa7: {  	s2 =	simm.s32 $0x1;
	s6 =	sshll.u32 s20, $0xC;
	s7 =	simm.s32 $0xCB00  }
.LBB2_4:
0xa8: {  	s31 =	sadd.s32 $0x80, s31  }
0xa9: {  	s17 =	spop (v2sf);
	s18 =	smov.u32 s15;
	s16 =	sadd.s32 $0x1, s15  }
0xaa: {  	p0 =	sne.s32 s15, $0x1FF;
	v4 =	vor.u32 s6, v1;
	v5 =	vor.u32 s6, v3;
	s15 =	sand.u32 $0x7F, s17;
	s17 =	spop (v2sf)  }
0xab: {  	s17 =	sand.u32 $0x7F, s17;
	v6 =	vor.u32 s15, v4;
	v7 =	vor.u32 s15, v5  }
0xac: {  	v4 =	vor.u32 s17, v4;
	v5 =	vor.u32 s17, v5;
	_ =	sdelay $0x3  }
0xad: {  	v6 =	vld.idx.msk [tilespmem:v6+s13+$0x0], $0xffff  }
0xae: {  	v4 =	vld.idx.msk [tilespmem:v4+s11+$0x0], $0xffff  }
0xaf: {  	v7 =	vld.idx.msk [tilespmem:v7+s13+$0x0], $0xffff  }
0xb0: {  	v5 =	vld.idx.msk [tilespmem:v5+s11+$0x0], $0xffff;
	_ =	sdelay $0x3  }
0xb1: {  	v4 =	vmul.f32 v6, v4;
	_ =	sdelay $0x1  }
0xb2: {  	v5 =	vmul.f32 v7, v5;
	_ =	sdelay $0x1  }
0xb3: {  	s15 =	smul.u32 $0xAAAB, s2;
	v4 =	vadd.f32 v5, v4;
	_ =	sdelay $0x1  }
0xb4: {  	s17 =	smin.u32 s5, $0x1F9;
	s5 =	smov.u32 s2;
	s15 =	sshrl.u32 s15, $0x12;
	[tilespmem:s7+$0x0] =	vst v4  }
0xb5: {  	s2 =	smov.u32 s18;
	s15 =	smul.u32 $0x6, s15;
	s7 =	smov.u32 s31;
	v4 =	vld [tilespmem:s17+$0x606]  }
0xb6: {  	v5 =	vld [tilespmem:s17+$0x886]  }
0xb7: {  	s15 =	ssub.s32 s5, s15  }
0xb8: {  	s15 =	sand.u32 $0xFFFF, s15  }
0xb9: {  	s17 =	sshll.u32 s15, $0xC  }
0xba: {  	(v2sf) =	vpush v4, $0x0  }
0xbb: {  	(v2sf) =	vpush v5, $0x0;
	_ =	sdelay $0xd  }
0xbc: {  	s18 =	spop (v2sf)  }
0xbd: {  	s19 =	sadd.s32 $0x1300, s6;
	s18 =	sand.u32 $0xFFFFF80, s18;
	s20 =	spop (v2sf)  }
0xbe: {  	s21 =	sor.u32 $0xB00, s6;
	s18 =	sadd.s32 s1, s18;
	s20 =	sand.u32 $0xFFFFF80, s20  }
0xbf: {  	[tilespmem:s21], [sflag:s0] =	stream.strided.gather [hbm4b:s18+s9], $0x800, s10, s9, $0x38;
	[tilespmem:$0x1CD00] =	vst v63  }
0xc0: {  	s18 =	sadd.s32 $0x1E8500, s18;
	s21 =	sadd.s32 $0x6B00, s6;
	s20 =	sadd.s32 s3, s20  }
0xc1: {  	[tilespmem:s19], [sflag:s29] =	stream.strided.gather [hbm4b:s18+s9], $0x800, s10, s9, $0x38;
	[tilespmem:$0x1CD00] =	vst v63  }
0xc2: {  	s18 =	sadd.s32 $0x7300, s6;
	s19 =	sadd.s32 $0x1E8500, s20;
	s6 =	smov.u32 s17  }
0xc3: {  	[tilespmem:s21], [sflag:s0] =	stream.strided.gather [hbm4b:s20+s9], $0x800, s10, s9, $0x38;
	[tilespmem:$0x1CD00] =	vst v63  }
0xc4: {  	s0 =	sadd.s32 $0x1, s15  }
0xc5: {  	[tilespmem:s18], [sflag:s29] =	stream.strided.gather [hbm4b:s19+s9], $0x800, s10, s9, $0x38;
	[tilespmem:$0x1CD00] =	vst v63  }
0xc6: {  	_ =	swait.ge [sflag:s0], $0x1000  }
0xc7: {  	[sflag:s0] =	ssyncset.done $0x0  }
0xc8: {  	s29 =	sadd.s32 $0x7, s15;
	[sflag:s0] =	ssyncadd.s32 $0xFFFFF000  }
0xc9: {  	_ =	swait.ge [sflag:s29], $0x1000  }
0xca: {  	[sflag:s29] =	ssyncset.done $0x0  }
0xcb: {  	[sflag:s29] =	ssyncadd.s32 $0xFFFFF000  }
0xcc: {  	v4 =	vld [tilespmem:s12+$0x0]  }
0xcd: {  	v5 =	vld [tilespmem:s14+$0x0];
	_ =	sdelay $0x3  }
0xce: {  	(v2sf) =	vpush v4, $0x0  }
0xcf: {  	(v2sf) =	vpush v5, $0x0;
	_ =	sdelay $0x8  }
.Ltmp1:
0xd0: {  	(pc) =	sbr.rel @p0 .LBB2_4-.Ltmp1, $2  }
0xd1: {  	_ =	sdelay $0x2  }
0xd2: {  	s15 =	smov.u32 s16;
	s12 =	sadd.s32 $0x1, s12;
	s14 =	sadd.s32 $0x1, s14  }
0xd3: {  	s15 =	spop (v2sf)  }
0xd4: {  	v4 =	vor.u32 s6, v1;
	s15 =	sand.u32 $0x7F, s15  }
0xd5: {  	v6 =	vor.u32 s6, v3;
	s16 =	spop (v2sf);
	v5 =	vor.u32 s15, v4  }
0xd6: {  	s16 =	sand.u32 $0x7F, s16;
	v7 =	vor.u32 s15, v6  }
0xd7: {  	v4 =	vor.u32 s16, v4  }
0xd8: {  	v6 =	vor.u32 s16, v6;
	_ =	sdelay $0x1  }
0xd9: {  	v5 =	vld.idx.msk [tilespmem:v5+s13+$0x0], $0xffff  }
0xda: {  	v7 =	vld.idx.msk [tilespmem:v7+s13+$0x0], $0xffff  }
0xdb: {  	v4 =	vld.idx.msk [tilespmem:v4+s11+$0x0], $0xffff  }
0xdc: {  	v6 =	vld.idx.msk [tilespmem:v6+s11+$0x0], $0xffff;
	_ =	sdelay $0x4  }
0xdd: {  	v4 =	vmul.f32 v5, v4;
	v5 =	vmul.f32 v7, v6;
	_ =	sdelay $0x1  }
0xde: {  	v4 =	vadd.f32 v5, v4;
	_ =	sdelay $0x1  }
0xdf: {  	s5 =	smin.u32 s5, $0x1F9;
	[tilespmem:s7+$0x0] =	vst v4  }
0xe0: {  	v4 =	vld [tilespmem:s5+$0x606];
	_ =	sdelay $0x1  }
0xe1: {  	v5 =	vld [tilespmem:s5+$0x886];
	_ =	sdelay $0x2  }
0xe2: {  	(v2sf) =	vpush v4, $0x0;
	_ =	sdelay $0x1  }
0xe3: {  	(v2sf) =	vpush v5, $0x0;
	_ =	sdelay $0xc  }
0xe4: {  	s16 =	spop (v2sf)  }
0xe5: {  	s17 =	sor.u32 $0xB00, s6;
	s18 =	sadd.s32 $0x1300, s6;
	s5 =	sand.u32 $0xFFFFF80, s16  }
0xe6: {  	s20 =	smul.u32 $0xAAAB, s2;
	s19 =	spop (v2sf);
	s5 =	sadd.s32 s1, s5  }
0xe7: {  	[tilespmem:s17], [sflag:s0] =	stream.strided.gather [hbm4b:s5+s9], $0x800, s10, s9, $0x38;
	[tilespmem:$0x1CD00] =	vst v63  }
0xe8: {  	s15 =	sand.u32 $0xFFFFF80, s19;
	s5 =	sadd.s32 $0x1E8500, s5  }
0xe9: {  	[tilespmem:s18], [sflag:s29] =	stream.strided.gather [hbm4b:s5+s9], $0x800, s10, s9, $0x38;
	[tilespmem:$0x1CD00] =	vst v63  }
0xea: {  	s21 =	sadd.s32 $0x6B00, s6;
	s15 =	sadd.s32 s3, s15;
	s5 =	sshrl.u32 s20, $0x12  }
0xeb: {  	[tilespmem:s21], [sflag:s0] =	stream.strided.gather [hbm4b:s15+s9], $0x800, s10, s9, $0x38;
	[tilespmem:$0x1CD00] =	vst v63  }
0xec: {  	s6 =	sadd.s32 $0x7300, s6;
	s7 =	sadd.s32 $0x1E8500, s15;
	s0 =	smul.u32 $0x6, s5  }
0xed: {  	[tilespmem:s6], [sflag:s29] =	stream.strided.gather [hbm4b:s7+s9], $0x800, s10, s9, $0x38;
	[tilespmem:$0x1CD00] =	vst v63  }
0xee: {  	s0 =	ssub.s32 s2, s0  }
0xef: {  	s0 =	sand.u32 $0xFFFF, s0  }
0xf0: {  	s15 =	sadd.s32 $0x1, s0  }
0xf1: {  	_ =	swait.ge [sflag:s15], $0x1000  }
0xf2: {  	[sflag:s15] =	ssyncset.done $0x0  }
0xf3: {  	s16 =	sadd.s32 $0x7, s0;
	[sflag:s15] =	ssyncadd.s32 $0xFFFFF000  }
0xf4: {  	_ =	swait.ge [sflag:s16], $0x1000  }
0xf5: {  	[sflag:s16] =	ssyncset.done $0x0  }
0xf6: {  	[sflag:s16] =	ssyncadd.s32 $0xFFFFF000  }
0xf7: {  	v4 =	vld [tilespmem:s12+$0x0];
	_ =	sdelay $0x1  }
0xf8: {  	v5 =	vld [tilespmem:s14+$0x0];
	_ =	sdelay $0x2  }
0xf9: {  	(v2sf) =	vpush v4, $0x0;
	_ =	sdelay $0x1  }
0xfa: {  	(v2sf) =	vpush v5, $0x0;
	_ =	sdelay $0xc  }
0xfb: {  	s0 =	sshll.u32 s0, $0xC;
	s17 =	spop (v2sf)  }
0xfc: {  	v4 =	vor.u32 s0, v1;
	s7 =	sand.u32 $0x7F, s17  }
0xfd: {  	v6 =	vor.u32 s0, v3;
	s18 =	spop (v2sf);
	v5 =	vor.u32 s7, v4  }
0xfe: {  	s12 =	sand.u32 $0x7F, s18;
	v7 =	vor.u32 s7, v6  }
0xff: {  	v4 =	vor.u32 s12, v4  }
0x100: {  	v6 =	vor.u32 s12, v6;
	_ =	sdelay $0x1  }
0x101: {  	v5 =	vld.idx.msk [tilespmem:v5+s13+$0x0], $0xffff  }
0x102: {  	v7 =	vld.idx.msk [tilespmem:v7+s13+$0x0], $0xffff  }
0x103: {  	v4 =	vld.idx.msk [tilespmem:v4+s11+$0x0], $0xffff  }
0x104: {  	v6 =	vld.idx.msk [tilespmem:v6+s11+$0x0], $0xffff;
	_ =	sdelay $0x4  }
0x105: {  	v4 =	vmul.f32 v5, v4;
	v5 =	vmul.f32 v7, v6;
	_ =	sdelay $0x1  }
0x106: {  	v4 =	vadd.f32 v5, v4  }
0x107: {  	s19 =	sadd.s32 $0x80, s31  }
0x108: {  	s20 =	smin.u32 s2, $0x1F9;
	[tilespmem:s19+$0x0] =	vst v4  }
0x109: {  	v4 =	vld [tilespmem:s20+$0x606];
	_ =	sdelay $0x4  }
0x10a: {  	(v2sf) =	vpush v4, $0x0  }
0x10b: {  	v4 =	vld [tilespmem:s20+$0x886];
	_ =	sdelay $0x4  }
0x10c: {  	(v2sf) =	vpush v4, $0x0;
	_ =	sdelay $0x8  }
0x10d: {  	s21 =	spop (v2sf)  }
0x10e: {  	s2 =	sand.u32 $0xFFFFF80, s21  }
0x10f: {  	s29 =	sor.u32 $0xB00, s0;
	s2 =	sadd.s32 s1, s2  }
0x110: {  	[tilespmem:s29], [sflag:s15] =	stream.strided.gather [hbm4b:s2+s9], $0x800, s10, s9, $0x38;
	[tilespmem:$0x1CD00] =	vst v63  }
0x111: {  	s31 =	sadd.s32 $0x1300, s0;
	s2 =	sadd.s32 $0x1E8500, s2  }
0x112: {  	[tilespmem:s31], [sflag:s16] =	stream.strided.gather [hbm4b:s2+s9], $0x800, s10, s9, $0x38;
	[tilespmem:$0x1CD00] =	vst v63  }
0x113: {  	s7 =	spop (v2sf)  }
0x114: {  	s2 =	sand.u32 $0xFFFFF80, s7  }
0x115: {  	s12 =	sadd.s32 $0x6B00, s0;
	s2 =	sadd.s32 s3, s2  }
0x116: {  	[tilespmem:s12], [sflag:s15] =	stream.strided.gather [hbm4b:s2+s9], $0x800, s10, s9, $0x38;
	[tilespmem:$0x1CD00] =	vst v63  }
0x117: {  	s14 =	simm.s32 $0x1;
	s0 =	sadd.s32 $0x7300, s0;
	s2 =	sadd.s32 $0x1E8500, s2  }
0x118: {  	[tilespmem:s0], [sflag:s16] =	stream.strided.gather [hbm4b:s2+s9], $0x800, s10, s9, $0x38;
	[tilespmem:$0x1CD00] =	vst v63  }
0x119: {  	_ =	swait.ge [sflag:s14], $0x1000  }
0x11a: {  	[sflag:s14] =	ssyncset.done $0x0  }
0x11b: {  	s15 =	simm.s32 $0x7;
	[sflag:s14] =	ssyncadd.s32 $0xFFFFF000  }
0x11c: {  	_ =	swait.ge [sflag:s15], $0x1000  }
0x11d: {  	[sflag:s15] =	ssyncset.done $0x0  }
0x11e: {  	s16 =	simm.s32 $0x2;
	[sflag:s15] =	ssyncadd.s32 $0xFFFFF000  }
0x11f: {  	_ =	swait.ge [sflag:s16], $0x1000  }
0x120: {  	[sflag:s16] =	ssyncset.done $0x0  }
0x121: {  	s17 =	simm.s32 $0x8;
	[sflag:s16] =	ssyncadd.s32 $0xFFFFF000  }
0x122: {  	_ =	swait.ge [sflag:s17], $0x1000  }
0x123: {  	[sflag:s17] =	ssyncset.done $0x0  }
0x124: {  	s18 =	simm.s32 $0x3;
	[sflag:s17] =	ssyncadd.s32 $0xFFFFF000  }
0x125: {  	_ =	swait.ge [sflag:s18], $0x1000  }
0x126: {  	[sflag:s18] =	ssyncset.done $0x0  }
0x127: {  	s19 =	simm.s32 $0x9;
	[sflag:s18] =	ssyncadd.s32 $0xFFFFF000  }
0x128: {  	_ =	swait.ge [sflag:s19], $0x1000  }
0x129: {  	[sflag:s19] =	ssyncset.done $0x0  }
0x12a: {  	s20 =	simm.s32 $0x4;
	[sflag:s19] =	ssyncadd.s32 $0xFFFFF000  }
0x12b: {  	_ =	swait.ge [sflag:s20], $0x1000  }
0x12c: {  	[sflag:s20] =	ssyncset.done $0x0  }
0x12d: {  	[sflag:s20] =	ssyncadd.s32 $0xFFFFF000  }
0x12e: {  	_ =	swait.ge [sflag:s22], $0x1000  }
0x12f: {  	[sflag:s22] =	ssyncset.done $0x0  }
0x130: {  	[sflag:s22] =	ssyncadd.s32 $0xFFFFF000  }
0x131: {  	_ =	swait.ge [sflag:s23], $0x1000  }
0x132: {  	[sflag:s23] =	ssyncset.done $0x0  }
0x133: {  	[sflag:s23] =	ssyncadd.s32 $0xFFFFF000  }
0x134: {  	s21 =	simm.s32 $0x0;
	_ =	swait.ge [sflag:s24], $0x1000  }
0x135: {  	v4 =	vmov s21;
	[sflag:s24] =	ssyncset.done $0x0  }
0x136: {  	v4 =	vshll.u32 v4, $0x7;
	[sflag:s24] =	ssyncadd.s32 $0xFFFFF000  }
0x137: {  	v4 =	vor.u32 v1, v4;
	_ =	swait.ge [sflag:s25], $0x1000  }
0x138: {  	v5 =	vor.u32 $0x1, v4;
	[sflag:s25] =	ssyncset.done $0x0  }
0x139: {  	[sflag:s25] =	ssyncadd.s32 $0xFFFFF000  }
0x13a: {  	_ =	swait.ge [sflag:s26], $0x1000  }
0x13b: {  	v6 =	vor.u32 $0x2, v4;
	[sflag:s26] =	ssyncset.done $0x0  }
0x13c: {  	[sflag:s26] =	ssyncadd.s32 $0xFFFFF000  }
0x13d: {  	v7 =	vor.u32 $0x3, v4;
	v5 =	vld.idx.msk [tilespmem:v5+s28+$0x0], $0xffff  }
0x13e: {  	v8 =	vld.idx.msk [tilespmem:v4+s28+$0x0], $0xffff  }
0x13f: {  	v9 =	vor.u32 $0x4, v4  }
0x140: {  	v6 =	vld.idx.msk [tilespmem:v6+s28+$0x0], $0xffff  }
0x141: {  	v10 =	vor.u32 $0x5, v4  }
0x142: {  	v7 =	vld.idx.msk [tilespmem:v7+s28+$0x0], $0xffff  }
0x143: {  	v11 =	vor.u32 $0x6, v4;
	v5 =	vadd.f32 v5, v8  }
0x144: {  	v36 =	vld.idx.msk [tilespmem:v9+s28+$0x0], $0xffff  }
0x145: {  	v37 =	vor.u32 $0x7, v4;
	v5 =	vadd.f32 v6, v5  }
0x146: {  	v6 =	vld.idx.msk [tilespmem:v10+s28+$0x0], $0xffff  }
0x147: {  	v38 =	vor.u32 $0x8, v4;
	v5 =	vadd.f32 v7, v5  }
0x148: {  	v7 =	vld.idx.msk [tilespmem:v11+s28+$0x0], $0xffff  }
0x149: {  	v39 =	vor.u32 $0x9, v4;
	v5 =	vadd.f32 v36, v5  }
0x14a: {  	v40 =	vld.idx.msk [tilespmem:v37+s28+$0x0], $0xffff  }
0x14b: {  	v41 =	vor.u32 $0xA, v4;
	v5 =	vadd.f32 v6, v5  }
0x14c: {  	v6 =	vld.idx.msk [tilespmem:v38+s28+$0x0], $0xffff  }
0x14d: {  	v42 =	vor.u32 $0xB, v4;
	v5 =	vadd.f32 v7, v5  }
0x14e: {  	v7 =	vld.idx.msk [tilespmem:v39+s28+$0x0], $0xffff  }
0x14f: {  	v43 =	vor.u32 $0xC, v4;
	v5 =	vadd.f32 v40, v5  }
0x150: {  	v44 =	vld.idx.msk [tilespmem:v41+s28+$0x0], $0xffff  }
0x151: {  	v45 =	vor.u32 $0xD, v4;
	v5 =	vadd.f32 v6, v5  }
0x152: {  	v6 =	vld.idx.msk [tilespmem:v42+s28+$0x0], $0xffff  }
0x153: {  	v46 =	vor.u32 $0xE, v4;
	v5 =	vadd.f32 v7, v5  }
0x154: {  	v7 =	vld.idx.msk [tilespmem:v43+s28+$0x0], $0xffff  }
0x155: {  	v4 =	vor.u32 $0xF, v4;
	v5 =	vadd.f32 v44, v5  }
0x156: {  	v47 =	vld.idx.msk [tilespmem:v45+s28+$0x0], $0xffff  }
0x157: {  	v5 =	vadd.f32 v6, v5  }
0x158: {  	v6 =	vld.idx.msk [tilespmem:v46+s28+$0x0], $0xffff  }
0x159: {  	v5 =	vadd.f32 v7, v5  }
0x15a: {  	v4 =	vld.idx.msk [tilespmem:v4+s28+$0x0], $0xffff  }
0x15b: {  	v5 =	vadd.f32 v47, v5;
	_ =	sdelay $0x1  }
0x15c: {  	v5 =	vadd.f32 v6, v5;
	_ =	sdelay $0x1  }
0x15d: {  	v4 =	vadd.f32 v4, v5;
	_ =	sdelay $0x1  }
0x15e: {  	v4 =	vsub.f32 $0.0e+00, v4;
	_ =	sdelay $0x1  }
0x15f: {  	v4 =	vmul.f32 $1.442695020e+00, v4;
	_ =	sdelay $0x1  }
0x160: {  	(erf) = vpow2.f32 v4;
	_ =	sdelay $0x8  }
0x161: {  	v4 =	vpop (erf)  }
0x162: {  	v4 =	vadd.f32 $1.000000000e+00, v4;
	_ =	sdelay $0x1  }
0x163: {  	(erf) = vrcp.f32 v4;
	_ =	sdelay $0x1  }
0x164: {  	s29 =	simm.s32 $0x10  }
0x165: {  	v4 =	vmov s29  }
0x166: {  	v4 =	vshll.u32 v4, $0x7  }
0x167: {  	v4 =	vor.u32 v1, v4  }
0x168: {  	v5 =	vor.u32 $0x1, v4;
	_ =	sdelay $0x2  }
0x169: {  	s0 =	simm.s32 $0x1CB00;
	v6 =	vor.u32 $0x2, v4;
	v7 =	vpop (erf)  }
0x16a: {  	[tilespmem:s0+$0x0] =	vst v7  }
0x16b: {  	v7 =	vor.u32 $0x3, v4;
	v5 =	vld.idx.msk [tilespmem:v5+s28+$0x0], $0xffff  }
0x16c: {  	v48 =	vld.idx.msk [tilespmem:v4+s28+$0x0], $0xffff  }
0x16d: {  	v49 =	vor.u32 $0x4, v4  }
0x16e: {  	v6 =	vld.idx.msk [tilespmem:v6+s28+$0x0], $0xffff  }
0x16f: {  	v50 =	vor.u32 $0x5, v4  }
0x170: {  	v7 =	vld.idx.msk [tilespmem:v7+s28+$0x0], $0xffff  }
0x171: {  	v51 =	vor.u32 $0x6, v4;
	v5 =	vadd.f32 v5, v48  }
0x172: {  	v52 =	vld.idx.msk [tilespmem:v49+s28+$0x0], $0xffff  }
0x173: {  	v53 =	vor.u32 $0x7, v4;
	v5 =	vadd.f32 v6, v5  }
0x174: {  	v6 =	vld.idx.msk [tilespmem:v50+s28+$0x0], $0xffff  }
0x175: {  	v54 =	vor.u32 $0x8, v4;
	v5 =	vadd.f32 v7, v5  }
0x176: {  	v7 =	vld.idx.msk [tilespmem:v51+s28+$0x0], $0xffff  }
0x177: {  	v55 =	vor.u32 $0x9, v4;
	v5 =	vadd.f32 v52, v5  }
0x178: {  	v56 =	vld.idx.msk [tilespmem:v53+s28+$0x0], $0xffff  }
0x179: {  	v57 =	vor.u32 $0xA, v4;
	v5 =	vadd.f32 v6, v5  }
0x17a: {  	v6 =	vld.idx.msk [tilespmem:v54+s28+$0x0], $0xffff  }
0x17b: {  	v58 =	vor.u32 $0xB, v4;
	v5 =	vadd.f32 v7, v5  }
0x17c: {  	v7 =	vld.idx.msk [tilespmem:v55+s28+$0x0], $0xffff  }
0x17d: {  	v59 =	vor.u32 $0xC, v4;
	v5 =	vadd.f32 v56, v5  }
0x17e: {  	v60 =	vld.idx.msk [tilespmem:v57+s28+$0x0], $0xffff  }
0x17f: {  	v61 =	vor.u32 $0xD, v4;
	v5 =	vadd.f32 v6, v5  }
0x180: {  	v6 =	vld.idx.msk [tilespmem:v58+s28+$0x0], $0xffff  }
0x181: {  	v62 =	vor.u32 $0xE, v4;
	v5 =	vadd.f32 v7, v5  }
0x182: {  	v7 =	vld.idx.msk [tilespmem:v59+s28+$0x0], $0xffff  }
0x183: {  	v4 =	vor.u32 $0xF, v4;
	v5 =	vadd.f32 v60, v5  }
0x184: {  	v63 =	vld.idx.msk [tilespmem:v61+s28+$0x0], $0xffff  }
0x185: {  	v5 =	vadd.f32 v6, v5  }
0x186: {  	v6 =	vld.idx.msk [tilespmem:v62+s28+$0x0], $0xffff  }
0x187: {  	v5 =	vadd.f32 v7, v5  }
0x188: {  	v4 =	vld.idx.msk [tilespmem:v4+s28+$0x0], $0xffff  }
0x189: {  	v5 =	vadd.f32 v63, v5;
	_ =	sdelay $0x1  }
0x18a: {  	v5 =	vadd.f32 v6, v5;
	_ =	sdelay $0x1  }
0x18b: {  	v4 =	vadd.f32 v4, v5;
	_ =	sdelay $0x1  }
0x18c: {  	v4 =	vsub.f32 $0.0e+00, v4;
	_ =	sdelay $0x1  }
0x18d: {  	v4 =	vmul.f32 $1.442695020e+00, v4;
	_ =	sdelay $0x1  }
0x18e: {  	(erf) = vpow2.f32 v4;
	_ =	sdelay $0x8  }
0x18f: {  	v4 =	vpop (erf)  }
0x190: {  	v4 =	vadd.f32 $1.000000000e+00, v4;
	_ =	sdelay $0x1  }
0x191: {  	(erf) = vrcp.f32 v4;
	_ =	sdelay $0x1  }
0x192: {  	s31 =	simm.s32 $0x20  }
0x193: {  	v5 =	vmov s31  }
0x194: {  	s2 =	simm.s32 $0x30;
	v4 =	vshll.u32 v5, $0x7  }
.LBB2_6:
0x195: {  	p0 =	sne.s32 s2, $0x1F0;
	v4 =	vor.u32 v1, v4  }
0x196: {  	v5 =	vor.u32 $0x1, v4;
	_ =	sdelay $0x2  }
0x197: {  	s0 =	sadd.s32 $0x10, s0;
	v6 =	vor.u32 $0x2, v4;
	v7 =	vpop (erf)  }
0x198: {  	[tilespmem:s0+$0x0] =	vst v7  }
0x199: {  	v7 =	vor.u32 $0x3, v4;
	v5 =	vld.idx.msk [tilespmem:v5+s28+$0x0], $0xffff  }
0x19a: {  	v8 =	vld.idx.msk [tilespmem:v4+s28+$0x0], $0xffff  }
0x19b: {  	v9 =	vor.u32 $0x4, v4  }
0x19c: {  	v6 =	vld.idx.msk [tilespmem:v6+s28+$0x0], $0xffff  }
0x19d: {  	v10 =	vor.u32 $0x5, v4  }
0x19e: {  	v7 =	vld.idx.msk [tilespmem:v7+s28+$0x0], $0xffff  }
0x19f: {  	v11 =	vor.u32 $0x6, v4  }
0x1a0: {  	v5 =	vadd.f32 v5, v8;
	v8 =	vld.idx.msk [tilespmem:v9+s28+$0x0], $0xffff  }
0x1a1: {  	v9 =	vor.u32 $0x7, v4  }
0x1a2: {  	v5 =	vadd.f32 v6, v5;
	v6 =	vld.idx.msk [tilespmem:v10+s28+$0x0], $0xffff  }
0x1a3: {  	v10 =	vor.u32 $0x8, v4  }
0x1a4: {  	v5 =	vadd.f32 v7, v5;
	v7 =	vld.idx.msk [tilespmem:v11+s28+$0x0], $0xffff  }
0x1a5: {  	v11 =	vor.u32 $0x9, v4  }
0x1a6: {  	v5 =	vadd.f32 v8, v5;
	v8 =	vld.idx.msk [tilespmem:v9+s28+$0x0], $0xffff  }
0x1a7: {  	v9 =	vor.u32 $0xA, v4  }
0x1a8: {  	v5 =	vadd.f32 v6, v5;
	v6 =	vld.idx.msk [tilespmem:v10+s28+$0x0], $0xffff  }
0x1a9: {  	v10 =	vor.u32 $0xB, v4  }
0x1aa: {  	v5 =	vadd.f32 v7, v5;
	v7 =	vld.idx.msk [tilespmem:v11+s28+$0x0], $0xffff  }
0x1ab: {  	v11 =	vor.u32 $0xC, v4  }
0x1ac: {  	v5 =	vadd.f32 v8, v5;
	v8 =	vld.idx.msk [tilespmem:v9+s28+$0x0], $0xffff  }
0x1ad: {  	v9 =	vor.u32 $0xD, v4  }
0x1ae: {  	v5 =	vadd.f32 v6, v5;
	v6 =	vld.idx.msk [tilespmem:v10+s28+$0x0], $0xffff  }
0x1af: {  	v10 =	vor.u32 $0xE, v4  }
0x1b0: {  	v5 =	vadd.f32 v7, v5;
	v7 =	vld.idx.msk [tilespmem:v11+s28+$0x0], $0xffff  }
0x1b1: {  	v4 =	vor.u32 $0xF, v4  }
0x1b2: {  	v5 =	vadd.f32 v8, v5;
	v8 =	vld.idx.msk [tilespmem:v9+s28+$0x0], $0xffff;
	_ =	sdelay $0x1  }
0x1b3: {  	v5 =	vadd.f32 v6, v5;
	v6 =	vld.idx.msk [tilespmem:v10+s28+$0x0], $0xffff;
	_ =	sdelay $0x1  }
0x1b4: {  	v5 =	vadd.f32 v7, v5;
	v4 =	vld.idx.msk [tilespmem:v4+s28+$0x0], $0xffff;
	_ =	sdelay $0x1  }
0x1b5: {  	v5 =	vadd.f32 v8, v5;
	_ =	sdelay $0x1  }
0x1b6: {  	v5 =	vadd.f32 v6, v5;
	_ =	sdelay $0x1  }
0x1b7: {  	v4 =	vadd.f32 v4, v5;
	_ =	sdelay $0x1  }
0x1b8: {  	v4 =	vsub.f32 $0.0e+00, v4;
	_ =	sdelay $0x1  }
0x1b9: {  	v4 =	vmul.f32 $1.442695020e+00, v4;
	_ =	sdelay $0x1  }
0x1ba: {  	(erf) = vpow2.f32 v4;
	_ =	sdelay $0x8  }
0x1bb: {  	v4 =	vpop (erf)  }
0x1bc: {  	v4 =	vadd.f32 $1.000000000e+00, v4;
	_ =	sdelay $0x1  }
.Ltmp2:
0x1bd: {  	(erf) = vrcp.f32 v4;
	(pc) =	sbr.rel @p0 .LBB2_6-.Ltmp2, $3  }
0x1be: {  	_ =	sdelay $0x1  }
0x1bf: {  	v4 =	vmov s2  }
0x1c0: {  	s2 =	sadd.s32 $0x10, s2;
	v4 =	vshll.u32 v4, $0x7  }
0x1c1: {  	v4 =	vor.u32 v1, v4  }
0x1c2: {  	v5 =	vor.u32 $0x1, v4;
	_ =	sdelay $0x2  }
0x1c3: {  	s0 =	sadd.s32 $0x10, s0;
	v6 =	vor.u32 $0x2, v4;
	v7 =	vpop (erf)  }
0x1c4: {  	[tilespmem:s0+$0x0] =	vst v7  }
0x1c5: {  	v44 =	vor.u32 $0x3, v4;
	v5 =	vld.idx.msk [tilespmem:v5+s28+$0x0], $0xffff  }
0x1c6: {  	v8 =	vld.idx.msk [tilespmem:v4+s28+$0x0], $0xffff  }
0x1c7: {  	v9 =	vor.u32 $0x4, v4  }
0x1c8: {  	v6 =	vld.idx.msk [tilespmem:v6+s28+$0x0], $0xffff  }
0x1c9: {  	v10 =	vor.u32 $0x5, v4  }
0x1ca: {  	v7 =	vld.idx.msk [tilespmem:v44+s28+$0x0], $0xffff  }
0x1cb: {  	v11 =	vor.u32 $0x6, v4;
	v5 =	vadd.f32 v5, v8  }
0x1cc: {  	v45 =	vld.idx.msk [tilespmem:v9+s28+$0x0], $0xffff  }
0x1cd: {  	v46 =	vor.u32 $0x7, v4;
	v5 =	vadd.f32 v6, v5  }
0x1ce: {  	v47 =	vld.idx.msk [tilespmem:v10+s28+$0x0], $0xffff  }
0x1cf: {  	v48 =	vor.u32 $0x8, v4;
	v5 =	vadd.f32 v7, v5  }
0x1d0: {  	v49 =	vld.idx.msk [tilespmem:v11+s28+$0x0], $0xffff  }
0x1d1: {  	v50 =	vor.u32 $0x9, v4;
	v5 =	vadd.f32 v45, v5  }
0x1d2: {  	v51 =	vld.idx.msk [tilespmem:v46+s28+$0x0], $0xffff  }
0x1d3: {  	v52 =	vor.u32 $0xA, v4;
	v5 =	vadd.f32 v47, v5  }
0x1d4: {  	v53 =	vld.idx.msk [tilespmem:v48+s28+$0x0], $0xffff  }
0x1d5: {  	v54 =	vor.u32 $0xB, v4;
	v5 =	vadd.f32 v49, v5  }
0x1d6: {  	v55 =	vld.idx.msk [tilespmem:v50+s28+$0x0], $0xffff  }
0x1d7: {  	v56 =	vor.u32 $0xC, v4;
	v5 =	vadd.f32 v51, v5  }
0x1d8: {  	v57 =	vld.idx.msk [tilespmem:v52+s28+$0x0], $0xffff  }
0x1d9: {  	v58 =	vor.u32 $0xD, v4;
	v5 =	vadd.f32 v53, v5  }
0x1da: {  	v59 =	vld.idx.msk [tilespmem:v54+s28+$0x0], $0xffff  }
0x1db: {  	v60 =	vor.u32 $0xE, v4;
	v5 =	vadd.f32 v55, v5  }
0x1dc: {  	v61 =	vld.idx.msk [tilespmem:v56+s28+$0x0], $0xffff  }
0x1dd: {  	v4 =	vor.u32 $0xF, v4;
	v5 =	vadd.f32 v57, v5  }
0x1de: {  	v62 =	vld.idx.msk [tilespmem:v58+s28+$0x0], $0xffff  }
0x1df: {  	v5 =	vadd.f32 v59, v5  }
0x1e0: {  	v63 =	vld.idx.msk [tilespmem:v60+s28+$0x0], $0xffff  }
0x1e1: {  	v5 =	vadd.f32 v61, v5  }
0x1e2: {  	v4 =	vld.idx.msk [tilespmem:v4+s28+$0x0], $0xffff  }
0x1e3: {  	v5 =	vadd.f32 v62, v5;
	_ =	sdelay $0x1  }
0x1e4: {  	v5 =	vadd.f32 v63, v5;
	_ =	sdelay $0x1  }
0x1e5: {  	v4 =	vadd.f32 v4, v5;
	_ =	sdelay $0x1  }
0x1e6: {  	v4 =	vsub.f32 $0.0e+00, v4;
	_ =	sdelay $0x1  }
0x1e7: {  	v4 =	vmul.f32 $1.442695020e+00, v4;
	_ =	sdelay $0x1  }
0x1e8: {  	(erf) = vpow2.f32 v4;
	_ =	sdelay $0x8  }
0x1e9: {  	v4 =	vpop (erf)  }
0x1ea: {  	v4 =	vadd.f32 $1.000000000e+00, v4;
	_ =	sdelay $0x1  }
0x1eb: {  	(erf) = vrcp.f32 v4;
	_ =	sdelay $0x8  }
0x1ec: {  	s0 =	sadd.s32 $0x10, s0;
	v4 =	vpop (erf)  }
0x1ed: {  	s29 =	rddreg [dreg:$0x6];
	s2 =	simm.s32 $0x1CB00;
	[tilespmem:s0+$0x0] =	vst v4  }
0x1ee: {  	[hbm4b:s29+s4] =	stream.linear.scatter [tilespmem:s2], [sflag:$0xD], $0x200, $0x38;
	[tilespmem:$0x1CD00] =	vst v63  }
0x1ef: {  	_ =	swait.ge [sflag:s8], $0x200  }
0x1f0: {  	s30 =	sadd.s32 $0x1, s30;
	s31 =	rddreg [dreg:$0x7]  }
0x1f1: {  	p0 =	sne.s32 s30, s31  }
.Ltmp3:
0x1f2: {  	_ = 	snop;
	(pc) =	sbr.rel @p0 .LBB2_1-.Ltmp3, $3  }
0x1f3: {  	_ =	sdelay $0x1  }
0x1f4: {  	[sflag:s8] =	ssyncset.done $0x0  }
0x1f5: {  	[sflag:s8] =	ssyncadd.s32 $0xFFFFFE00  }
0x1f6: {  	_ =	sfence.sel $0x180000  }
0x1f7: {  	[bflag:$0x0] =	sbarrier.arrive $0xFFFF  }
0x1f8: {  	_ =	strace $0x90000047  }
0x1f9: {  	s0 =	stileid.u32;
	[bflag:$0x2] =	sbarrier.arrive $0xFFFF  }
0x1fa: {  	p0 =	sne.s32 s0, $0x0;
	s0 =	rddreg [dreg:$0x4]  }
0x1fb: {  	s0 =	sadd.s32 @!p0 $0x100000, s0  }
0x1fc: {  	[sflag:s0] =	ssyncadd.tile.s32 @!p0 $0x1;
	_ =	shalt  }
.Lfunc_end2:
_tile_overlayer_lowered:
.L_overlay_start_2:
0x1fd: {  	(tag) =	ssettag $0x2  }
0x1fe: {  	s0 =	rddreg [dreg:$0x0];
	s2 =	stileid.u32  }
0x1ff: {  	s1 =	rddreg [dreg:$0x1];
	p0 =	sne.s32 s2, $0x0  }
0x200: {  	s3 =	rddreg [dreg:$0x2];
	[bflag:$0x3] =	sbarrier.arrive $0xFFFF;
	s2 =	simm.s32 @!p0 $0x1C0D  }
0x201: {  	[timem:s3], [sflag:s2] =	dma.local @!p0 [hbm:s0], s1  }
0x202: {  	s0 =	simm.s32 @!p0 $0xD  }
0x203: {  	_ =	swait.ge @!p0 [sflag:s0], s1  }
0x204: {  	s1 =	ssub.s32 @!p0 $0x0, s1;
	[sflag:s0] =	ssyncset.done @!p0 $0x0  }
0x205: {  	[sflag:s0] =	ssyncadd.s32 @!p0 s1  }
0x206: {  	[bflag:$0x3] =	sbarrier.arrive $0xFFFF  }
0x207: {  	_ =	shalt  }

</sc_bundles>
